<compile_context>
chip_gen: v7x
topology: tpu7x:2x2x1
jax: 0.10.2.dev20260603
libtpu: 0.0.44.dev20260713+nightly
codegen_flags: <defaults>
</compile_context>

<pallas_src>
import functools

import numpy as np
import jax
import jax.numpy as jnp
from jax import lax
from jax.experimental import pallas as pl
from jax.experimental.pallas import tpu as pltpu
from jax.experimental.pallas import tpu_sc as plsc

_NC = 2
_NS = 16
_NW = _NC * _NS
_CHUNK = 128
_HP = 128
_G = 64
_BN_SCALE = float(1.0 / np.sqrt(1.0 + 1e-5))
_MM = dict(preferred_element_type=jnp.float32, precision=lax.Precision.HIGHEST)


def _mesh():
    return plsc.VectorSubcoreMesh(core_axis_name="c", subcore_axis_name="s",
                                  num_cores=_NC, num_subcores=_NS)


@functools.lru_cache(maxsize=None)
def _make_deg(np_rows, n_chunks):
    rpt = np_rows // _NS

    @functools.partial(
        pl.kernel,
        out_type=jax.ShapeDtypeStruct((_NC, np_rows), jnp.float32),
        mesh=_mesh(),
        scratch_types=[
            pltpu.VMEM_SHARED((np_rows,), jnp.float32),
            pltpu.VMEM((n_chunks, _CHUNK), jnp.int32),
            pltpu.VMEM((_CHUNK,), jnp.float32),
        ],
    )
    def deg_kernel(dst_hbm, ones_hbm, zeros_hbm, out_hbm, acc_sh, dst_v, ones_v):
        c = lax.axis_index("c")
        s = lax.axis_index("s")
        wid = s * _NC + c
        pltpu.sync_copy(zeros_hbm, acc_sh.at[pl.ds(s * rpt, rpt)])
        pltpu.sync_copy(dst_hbm.at[wid], dst_v)
        pltpu.sync_copy(ones_hbm, ones_v)
        plsc.subcore_barrier()

        def body(j, carry):
            pltpu.sync_copy(ones_v, acc_sh.at[dst_v.at[j]], add=True)
            return carry

        lax.fori_loop(0, n_chunks, body, 0)
        plsc.subcore_barrier()
        pltpu.sync_copy(acc_sh.at[pl.ds(s * rpt, rpt)],
                        out_hbm.at[c, pl.ds(s * rpt, rpt)])

    return deg_kernel


@functools.lru_cache(maxsize=None)
def _make_prop(np_rows, n_chunks):
    rpt = np_rows // _NS

    @functools.partial(
        pl.kernel,
        out_type=jax.ShapeDtypeStruct((_NC, np_rows, _HP), jnp.float32),
        mesh=_mesh(),
        scratch_types=[
            pltpu.VMEM_SHARED((np_rows, _HP), jnp.float32),
            pltpu.VMEM((n_chunks, _CHUNK), jnp.int32),
            pltpu.VMEM((n_chunks, _CHUNK), jnp.int32),
            pltpu.VMEM((_CHUNK, _HP), jnp.float32),
            pltpu.SemaphoreType.DMA,
        ],
    )
    def prop_kernel(table_hbm, src_hbm, dst_hbm, zeros_hbm, out_hbm,
                    acc_sh, src_v, dst_v, rows_v, gsem):
        c = lax.axis_index("c")
        s = lax.axis_index("s")
        wid = s * _NC + c
        pltpu.sync_copy(zeros_hbm, acc_sh.at[pl.ds(s * rpt, rpt)])
        pltpu.sync_copy(src_hbm.at[wid], src_v)
        pltpu.sync_copy(dst_hbm.at[wid], dst_v)
        plsc.subcore_barrier()

        def body(j, carry):
            pltpu.async_copy(table_hbm.at[src_v.at[j]], rows_v, gsem).wait()
            pltpu.sync_copy(rows_v, acc_sh.at[dst_v.at[j]], add=True)
            return carry

        lax.fori_loop(0, n_chunks, body, 0)
        plsc.subcore_barrier()
        pltpu.sync_copy(acc_sh.at[pl.ds(s * rpt, rpt)],
                        out_hbm.at[c, pl.ds(s * rpt, rpt)])

    return prop_kernel


def _mm_scale_body(x_ref, w_ref, deg_ref, hd_ref):
    dinv = 1.0 / jnp.sqrt(1.0 + deg_ref[...])
    hd_ref[...] = jnp.dot(x_ref[...], w_ref[...], **_MM) * dinv


def _layer_body(agg_ref, hd_ref, deg_ref, b_ref, g_ref, be_ref, w_ref, out_ref):
    dinv = 1.0 / jnp.sqrt(1.0 + deg_ref[...])
    t = (agg_ref[0] + agg_ref[1] + hd_ref[...]) * dinv + b_ref[...]
    t = t * (g_ref[...] * _BN_SCALE) + be_ref[...]
    hcur = jnp.maximum(t, 0.0)
    out_ref[...] = jnp.dot(hcur, w_ref[...], **_MM) * dinv


def _final_body(agg_ref, hd_ref, deg_ref, b_ref, g_ref, be_ref, batch_ref,
                wc1_ref, bc1_ref, wc2_ref, bc2_ref, out_ref):
    np_rows = hd_ref.shape[0]
    dinv = 1.0 / jnp.sqrt(1.0 + deg_ref[...])
    t = (agg_ref[0] + agg_ref[1] + hd_ref[...]) * dinv + b_ref[...]
    t = t * (g_ref[...] * _BN_SCALE) + be_ref[...]
    h2 = jnp.maximum(t, 0.0)
    gid = lax.broadcasted_iota(jnp.int32, (_G, np_rows), 0)
    mask = (gid == batch_ref[...]).astype(jnp.float32)
    sums = jnp.dot(mask, h2, **_MM)
    counts = jnp.sum(mask, axis=1, keepdims=True)
    pooled = sums / jnp.maximum(counts, 1.0)
    z = jnp.maximum(jnp.dot(pooled, wc1_ref[...], **_MM) + bc1_ref[...], 0.0)
    out_ref[...] = jnp.dot(z, wc2_ref[...], **_MM) + bc2_ref[...]


def _pad_cols(a, w):
    return jnp.concatenate(
        [a, jnp.zeros(a.shape[:-1] + (w - a.shape[-1],), a.dtype)], axis=-1)


def kernel(x, edge_index, batch, W1, b1, g1, be1, W2, b2, g2, be2,
           Wc1, bc1, Wc2, bc2):
    n, d = x.shape
    e = edge_index.shape[1]
    h1 = W1.shape[1]

    np_rows = (n // 128 + 2) * 128
    ep = -(-e // (_NW * _CHUNK)) * (_NW * _CHUNK)
    pad_e = ep - e
    n_chunks = ep // (_NW * _CHUNK)

    xp = jnp.concatenate([x, jnp.zeros((np_rows - n, d), x.dtype)], axis=0)
    pad_src = jnp.arange(pad_e, dtype=jnp.int32) % n
    pad_dst = n + jnp.arange(pad_e, dtype=jnp.int32) % (np_rows - n)
    src = jnp.concatenate([edge_index[0], pad_src]).reshape(_NW, n_chunks, _CHUNK)
    dst = jnp.concatenate([edge_index[1], pad_dst]).reshape(_NW, n_chunks, _CHUNK)
    batch_p = jnp.concatenate(
        [batch, jnp.full((np_rows - n,), _G, batch.dtype)]).reshape(1, np_rows)

    rpt = np_rows // _NS
    zeros_1d = jnp.zeros((rpt,), jnp.float32)
    ones_chunk = jnp.ones((_CHUNK,), jnp.float32)
    zeros_hp = jnp.zeros((rpt, _HP), jnp.float32)

    W1p = _pad_cols(W1, _HP)
    W2p = _pad_cols(jnp.concatenate(
        [W2, jnp.zeros((_HP - h1, W2.shape[1]), W2.dtype)], axis=0), _HP)
    Wc1p = jnp.concatenate(
        [Wc1, jnp.zeros((_HP - Wc1.shape[0], Wc1.shape[1]), Wc1.dtype)], axis=0)
    b1p = _pad_cols(b1.reshape(1, -1), _HP)
    g1p = _pad_cols(g1.reshape(1, -1), _HP)
    be1p = _pad_cols(be1.reshape(1, -1), _HP)
    b2p = _pad_cols(b2.reshape(1, -1), _HP)
    g2p = _pad_cols(g2.reshape(1, -1), _HP)
    be2p = _pad_cols(be2.reshape(1, -1), _HP)

    degs = _make_deg(np_rows, n_chunks)(dst, ones_chunk, zeros_1d)
    degp = (degs[0] + degs[1]).reshape(np_rows, 1)

    blk = 1024
    grid = (np_rows // blk,)
    hd1 = pl.pallas_call(
        _mm_scale_body,
        grid=grid,
        in_specs=[
            pl.BlockSpec((blk, d), lambda i: (i, 0)),
            pl.BlockSpec((d, _HP), lambda i: (0, 0)),
            pl.BlockSpec((blk, 1), lambda i: (i, 0)),
        ],
        out_specs=pl.BlockSpec((blk, _HP), lambda i: (i, 0)),
        out_shape=jax.ShapeDtypeStruct((np_rows, _HP), jnp.float32),
    )(xp, W1p, degp)

    prop = _make_prop(np_rows, n_chunks)
    agg1 = prop(hd1, src, dst, zeros_hp)

    hd2 = pl.pallas_call(
        _layer_body,
        grid=grid,
        in_specs=[
            pl.BlockSpec((_NC, blk, _HP), lambda i: (0, i, 0)),
            pl.BlockSpec((blk, _HP), lambda i: (i, 0)),
            pl.BlockSpec((blk, 1), lambda i: (i, 0)),
            pl.BlockSpec((1, _HP), lambda i: (0, 0)),
            pl.BlockSpec((1, _HP), lambda i: (0, 0)),
            pl.BlockSpec((1, _HP), lambda i: (0, 0)),
            pl.BlockSpec((_HP, _HP), lambda i: (0, 0)),
        ],
        out_specs=pl.BlockSpec((blk, _HP), lambda i: (i, 0)),
        out_shape=jax.ShapeDtypeStruct((np_rows, _HP), jnp.float32),
    )(agg1, hd1, degp, b1p, g1p, be1p, W2p)

    agg2 = prop(hd2, src, dst, zeros_hp)

    out = pl.pallas_call(
        _final_body,
        out_shape=jax.ShapeDtypeStruct((_G, Wc2.shape[1]), jnp.float32),
    )(agg2, hd2, degp, b2p, g2p, be2p, batch_p, Wc1p,
      bc1.reshape(1, -1), Wc2, bc2.reshape(1, -1))

    return out

# --- scband reference (transcript-rebuilt; emitter-appended) ---
"""Pipeline reference for scband-gcnclassifier-63299228008750 (READ-ONLY COPY).

The authoritative reference and input builder live on the scoring server;
editing this copy changes nothing except your own understanding.
"""

import jax, jax.numpy as jnp
import numpy as np

N = 10000
E = 160000
D = 256
H1 = 64
H2 = 32
G = 64
NUM_CLASSES = 2
EPS = 1e-5


def setup_inputs(seed: int = 0) -> dict:
    key = jax.random.key(seed)
    ks = jax.random.split(key, 16)
    x = jax.random.normal(ks[0], (N, D), dtype=jnp.float32)
    edge_index = jax.random.randint(ks[1], (2, E), 0, N, dtype=jnp.int32)
    batch = jnp.sort(jax.random.randint(ks[2], (N,), 0, G, dtype=jnp.int32))
    W1 = jax.random.normal(ks[3], (D, H1), dtype=jnp.float32) * (1.0 / np.sqrt(D))
    b1 = jnp.zeros((H1,), dtype=jnp.float32)
    g1 = jnp.ones((H1,), dtype=jnp.float32)
    be1 = jnp.zeros((H1,), dtype=jnp.float32)
    W2 = jax.random.normal(ks[4], (H1, H2), dtype=jnp.float32) * (1.0 / np.sqrt(H1))
    b2 = jnp.zeros((H2,), dtype=jnp.float32)
    g2 = jnp.ones((H2,), dtype=jnp.float32)
    be2 = jnp.zeros((H2,), dtype=jnp.float32)
    Wc1 = jax.random.normal(ks[5], (H2, H2 // 2), dtype=jnp.float32) * (1.0 / np.sqrt(H2))
    bc1 = jnp.zeros((H2 // 2,), dtype=jnp.float32)
    Wc2 = jax.random.normal(ks[6], (H2 // 2, NUM_CLASSES), dtype=jnp.float32) * (1.0 / np.sqrt(H2 // 2))
    bc2 = jnp.zeros((NUM_CLASSES,), dtype=jnp.float32)
    return {"x": x, "edge_index": edge_index, "batch": batch,
            "W1": W1, "b1": b1, "g1": g1, "be1": be1,
            "W2": W2, "b2": b2, "g2": g2, "be2": be2,
            "Wc1": Wc1, "bc1": bc1, "Wc2": Wc2, "bc2": bc2}


def _gcn_conv(x, W, b, src, dst, n):
    # PyG GCNConv with self-loops (already appended in src/dst) and sym normalization
    h = x @ W
    deg = jnp.zeros((n,), x.dtype).at[dst].add(1.0)
    dinv = jnp.where(deg > 0, deg ** -0.5, 0.0)
    norm = dinv[src] * dinv[dst]
    out = jnp.zeros((n, W.shape[1]), x.dtype).at[dst].add(h[src] * norm[:, None])
    return out + b


def _bn_eval(x, g, be):
    # BatchNorm1d in eval mode with fresh running stats (mean=0, var=1)
    return (x / jnp.sqrt(1.0 + EPS)) * g + be


def reference(x, edge_index, batch, W1, b1, g1, be1, W2, b2, g2, be2, Wc1, bc1, Wc2, bc2):
    n = x.shape[0]
    loop = jnp.arange(n, dtype=edge_index.dtype)
    src = jnp.concatenate([edge_index[0], loop])
    dst = jnp.concatenate([edge_index[1], loop])
    h = _gcn_conv(x, W1, b1, src, dst, n)
    h = jax.nn.relu(_bn_eval(h, g1, be1))
    h = _gcn_conv(h, W2, b2, src, dst, n)
    h = jax.nn.relu(_bn_eval(h, g2, be2))
    sums = jax.ops.segment_sum(h, batch, num_segments=G)
    counts = jax.ops.segment_sum(jnp.ones((n,), h.dtype), batch, num_segments=G)
    pooled = sums / jnp.maximum(counts, 1.0)[:, None]
    z = jax.nn.relu(pooled @ Wc1 + bc1)
    return z @ Wc2 + bc2

if __name__ == "__main__":
    import jax
    _d = setup_inputs()
    print(jax.jit(kernel)(*tuple(_d.values())))

</pallas_src>

<mosaic_0001>
#map = affine_map<(d0, d1) -> (0, 0)>
#map1 = affine_map<(d0, d1) -> (0, 0, 0)>
module attributes {stable_mosaic.version = 14 : i64} {
  func.func @prop_kernel(%arg0: i32, %arg1: i32, %arg2: memref<10240x128xf32, #tpu.memory_space<hbm>>, %arg3: memref<32x40x128xi32, #tpu.memory_space<hbm>>, %arg4: memref<32x40x128xi32, #tpu.memory_space<hbm>>, %arg5: memref<640x128xf32, #tpu.memory_space<hbm>>, %arg6: memref<2x10240x128xf32, #tpu.memory_space<hbm>>, %arg7: memref<10240x128xf32, #tpu.memory_space<vmem_shared>>, %arg8: memref<40x128xi32, #tpu.memory_space<vmem>>, %arg9: memref<40x128xi32, #tpu.memory_space<vmem>>, %arg10: memref<128x128xf32, #tpu.memory_space<vmem>>, %arg11: memref<!tpu.dma_semaphore, #tpu.memory_space<semaphore_mem>>) attributes {dimension_semantics = [#tpu.dimension_semantics<core_parallel>, #tpu.dimension_semantics<subcore_parallel>], iteration_bounds = array<i64: 2, 16>, scalar_prefetch = 0 : i64, scratch_operands = 5 : i64, tpu.core_type = #tpu.core_type<sc_vector_subcore>, window_params = [{transform_indices = #map}, {transform_indices = #map1}, {transform_indices = #map1}, {transform_indices = #map}, {transform_indices = #map1}]} {
    %mul3A = arith.constant 2 : i32
    %mul3A_0 = arith.muli %arg1, %mul3A : i32
    %add3A = arith.addi %mul3A_0, %arg0 : i32
    %mul3A_1 = arith.constant 640 : i32
    %mul3A_2 = arith.muli %arg1, %mul3A_1 : i32
    "tpu.region"() ({
      %run_scoped3A = tpu.sem_alloc : memref<!tpu.dma_semaphore, #tpu.memory_space<semaphore_mem>>
      %dma_start3A = arith.constant 0 : i32
      %dma_start3A_13 = tpu.memref_slice %arg7[%mul3A_2, %dma_start3A] : memref<10240x128xf32, #tpu.memory_space<vmem_shared>> -> memref<640x128xf32, #tpu.memory_space<vmem_shared>>
      tpu.enqueue_dma source(%arg5 : memref<640x128xf32, #tpu.memory_space<hbm>>) target(%dma_start3A_13 : memref<640x128xf32, #tpu.memory_space<vmem_shared>>) target_semaphore(%run_scoped3A : memref<!tpu.dma_semaphore, #tpu.memory_space<semaphore_mem>>)
      %dma_wait3A = arith.constant 0 : i32
      %dma_wait3A_14 = tpu.memref_slice %arg7[%mul3A_2, %dma_wait3A] : memref<10240x128xf32, #tpu.memory_space<vmem_shared>> -> memref<640x128xf32, #tpu.memory_space<vmem_shared>>
      tpu.wait_dma2 semaphore(%run_scoped3A : memref<!tpu.dma_semaphore, #tpu.memory_space<semaphore_mem>>) src(%arg5 : memref<640x128xf32, #tpu.memory_space<hbm>>) dst(%dma_wait3A_14 : memref<640x128xf32, #tpu.memory_space<vmem_shared>>)
      tpu.yield
    }) : () -> ()
    "tpu.region"() ({
      %run_scoped3A = tpu.sem_alloc : memref<!tpu.dma_semaphore, #tpu.memory_space<semaphore_mem>>
      %dma_start3A = arith.constant 0 : i32
      %dma_start3A_13 = arith.constant 0 : i32
      %dma_start3A_14 = tpu.memref_slice %arg3[%add3A, %dma_start3A, %dma_start3A_13] : memref<32x40x128xi32, #tpu.memory_space<hbm>> -> memref<1x40x128xi32, #tpu.memory_space<hbm>>
      %dma_start3A_15 = tpu.memref_squeeze %dma_start3A_14 : memref<1x40x128xi32, #tpu.memory_space<hbm>> -> memref<40x128xi32, #tpu.memory_space<hbm>>
      %dma_start3A_16 = arith.constant 0 : i32
      %dma_start3A_17 = arith.constant 0 : i32
      %dma_start3A_18 = tpu.memref_slice %arg3[%add3A, %dma_start3A_16, %dma_start3A_17] : memref<32x40x128xi32, #tpu.memory_space<hbm>> -> memref<1x40x128xi32, #tpu.memory_space<hbm>>
      %dma_start3A_19 = tpu.memref_squeeze %dma_start3A_18 : memref<1x40x128xi32, #tpu.memory_space<hbm>> -> memref<40x128xi32, #tpu.memory_space<hbm>>
      tpu.enqueue_dma source(%dma_start3A_19 : memref<40x128xi32, #tpu.memory_space<hbm>>) target(%arg8 : memref<40x128xi32, #tpu.memory_space<vmem>>) target_semaphore(%run_scoped3A : memref<!tpu.dma_semaphore, #tpu.memory_space<semaphore_mem>>)
      %dma_wait3A = arith.constant 0 : i32
      %dma_wait3A_20 = arith.constant 0 : i32
      %dma_wait3A_21 = tpu.memref_slice %arg3[%add3A, %dma_wait3A, %dma_wait3A_20] : memref<32x40x128xi32, #tpu.memory_space<hbm>> -> memref<1x40x128xi32, #tpu.memory_space<hbm>>
      %dma_wait3A_22 = tpu.memref_squeeze %dma_wait3A_21 : memref<1x40x128xi32, #tpu.memory_space<hbm>> -> memref<40x128xi32, #tpu.memory_space<hbm>>
      %dma_wait3A_23 = arith.constant 0 : i32
      %dma_wait3A_24 = arith.constant 0 : i32
      %dma_wait3A_25 = tpu.memref_slice %arg3[%add3A, %dma_wait3A_23, %dma_wait3A_24] : memref<32x40x128xi32, #tpu.memory_space<hbm>> -> memref<1x40x128xi32, #tpu.memory_space<hbm>>
      %dma_wait3A_26 = tpu.memref_squeeze %dma_wait3A_25 : memref<1x40x128xi32, #tpu.memory_space<hbm>> -> memref<40x128xi32, #tpu.memory_space<hbm>>
      tpu.wait_dma2 semaphore(%run_scoped3A : memref<!tpu.dma_semaphore, #tpu.memory_space<semaphore_mem>>) src(%dma_wait3A_26 : memref<40x128xi32, #tpu.memory_space<hbm>>) dst(%arg8 : memref<40x128xi32, #tpu.memory_space<vmem>>)
      tpu.yield
    }) : () -> ()
    "tpu.region"() ({
      %run_scoped3A = tpu.sem_alloc : memref<!tpu.dma_semaphore, #tpu.memory_space<semaphore_mem>>
      %dma_start3A = arith.constant 0 : i32
      %dma_start3A_13 = arith.constant 0 : i32
      %dma_start3A_14 = tpu.memref_slice %arg4[%add3A, %dma_start3A, %dma_start3A_13] : memref<32x40x128xi32, #tpu.memory_space<hbm>> -> memref<1x40x128xi32, #tpu.memory_space<hbm>>
      %dma_start3A_15 = tpu.memref_squeeze %dma_start3A_14 : memref<1x40x128xi32, #tpu.memory_space<hbm>> -> memref<40x128xi32, #tpu.memory_space<hbm>>
      %dma_start3A_16 = arith.constant 0 : i32
      %dma_start3A_17 = arith.constant 0 : i32
      %dma_start3A_18 = tpu.memref_slice %arg4[%add3A, %dma_start3A_16, %dma_start3A_17] : memref<32x40x128xi32, #tpu.memory_space<hbm>> -> memref<1x40x128xi32, #tpu.memory_space<hbm>>
      %dma_start3A_19 = tpu.memref_squeeze %dma_start3A_18 : memref<1x40x128xi32, #tpu.memory_space<hbm>> -> memref<40x128xi32, #tpu.memory_space<hbm>>
      tpu.enqueue_dma source(%dma_start3A_19 : memref<40x128xi32, #tpu.memory_space<hbm>>) target(%arg9 : memref<40x128xi32, #tpu.memory_space<vmem>>) target_semaphore(%run_scoped3A : memref<!tpu.dma_semaphore, #tpu.memory_space<semaphore_mem>>)
      %dma_wait3A = arith.constant 0 : i32
      %dma_wait3A_20 = arith.constant 0 : i32
      %dma_wait3A_21 = tpu.memref_slice %arg4[%add3A, %dma_wait3A, %dma_wait3A_20] : memref<32x40x128xi32, #tpu.memory_space<hbm>> -> memref<1x40x128xi32, #tpu.memory_space<hbm>>
      %dma_wait3A_22 = tpu.memref_squeeze %dma_wait3A_21 : memref<1x40x128xi32, #tpu.memory_space<hbm>> -> memref<40x128xi32, #tpu.memory_space<hbm>>
      %dma_wait3A_23 = arith.constant 0 : i32
      %dma_wait3A_24 = arith.constant 0 : i32
      %dma_wait3A_25 = tpu.memref_slice %arg4[%add3A, %dma_wait3A_23, %dma_wait3A_24] : memref<32x40x128xi32, #tpu.memory_space<hbm>> -> memref<1x40x128xi32, #tpu.memory_space<hbm>>
      %dma_wait3A_26 = tpu.memref_squeeze %dma_wait3A_25 : memref<1x40x128xi32, #tpu.memory_space<hbm>> -> memref<40x128xi32, #tpu.memory_space<hbm>>
      tpu.wait_dma2 semaphore(%run_scoped3A : memref<!tpu.dma_semaphore, #tpu.memory_space<semaphore_mem>>) src(%dma_wait3A_26 : memref<40x128xi32, #tpu.memory_space<hbm>>) dst(%arg9 : memref<40x128xi32, #tpu.memory_space<vmem>>)
      tpu.yield
    }) : () -> ()
    %barrier3A = arith.constant 0 : index
    tpu.barrier barrier_id(%barrier3A)
    %scan3A = arith.constant 0 : i32
    %scan3A_3 = arith.constant 0 : i32
    %scan3A_4 = arith.constant 40 : i32
    %scan3A_5 = arith.addi %scan3A_3, %scan3A_4 : i32
    %scan3A_6 = arith.constant 1 : i32
    scf.for %scan3A_13 = %scan3A_3 to %scan3A_5 step %scan3A_6  : i32 {
      %dma_start3A = arith.constant 0 : i32
      %dma_start3A_14 = tpu.memref_slice %arg8[%scan3A_13, %dma_start3A] : memref<40x128xi32, #tpu.memory_space<vmem>> -> memref<1x128xi32, #tpu.memory_space<vmem>>
      %dma_start3A_15 = tpu.memref_squeeze %dma_start3A_14 : memref<1x128xi32, #tpu.memory_space<vmem>> -> memref<128xi32, #tpu.memory_space<vmem>>
      %dma_start3A_16 = arith.constant 0 : i32
      %dma_start3A_17 = arith.constant 0 : i32
      %dma_start3A_18 = tpu.memref_slice %arg2[%dma_start3A_16, %dma_start3A_17] : memref<10240x128xf32, #tpu.memory_space<hbm>> -> memref<10240x128xf32, #tpu.memory_space<hbm>>
      tpu.enqueue_indirect_dma source(%dma_start3A_18 : memref<10240x128xf32, #tpu.memory_space<hbm>>) target(%arg10 : memref<128x128xf32, #tpu.memory_space<vmem>>) offsets(%dma_start3A_15 : memref<128xi32, #tpu.memory_space<vmem>>) semaphore(%arg11 : memref<!tpu.dma_semaphore, #tpu.memory_space<semaphore_mem>>)
      %dma_wait3A = arith.constant 0 : i32
      %dma_wait3A_19 = tpu.memref_slice %arg8[%scan3A_13, %dma_wait3A] : memref<40x128xi32, #tpu.memory_space<vmem>> -> memref<1x128xi32, #tpu.memory_space<vmem>>
      %dma_wait3A_20 = tpu.memref_squeeze %dma_wait3A_19 : memref<1x128xi32, #tpu.memory_space<vmem>> -> memref<128xi32, #tpu.memory_space<vmem>>
      %dma_wait3A_21 = arith.constant 0 : i32
      %dma_wait3A_22 = arith.constant 0 : i32
      %dma_wait3A_23 = tpu.memref_slice %arg2[%dma_wait3A_21, %dma_wait3A_22] : memref<10240x128xf32, #tpu.memory_space<hbm>> -> memref<10240x128xf32, #tpu.memory_space<hbm>>
      tpu.wait_indirect_dma semaphore(%arg11 : memref<!tpu.dma_semaphore, #tpu.memory_space<semaphore_mem>>) src(%dma_wait3A_23 : memref<10240x128xf32, #tpu.memory_space<hbm>>) dst(%arg10 : memref<128x128xf32, #tpu.memory_space<vmem>>)
      "tpu.region"() ({
        %run_scoped3A = tpu.sem_alloc : memref<!tpu.dma_semaphore, #tpu.memory_space<semaphore_mem>>
        %dma_start3A_24 = arith.constant 0 : i32
        %dma_start3A_25 = tpu.memref_slice %arg9[%scan3A_13, %dma_start3A_24] : memref<40x128xi32, #tpu.memory_space<vmem>> -> memref<1x128xi32, #tpu.memory_space<vmem>>
        %dma_start3A_26 = tpu.memref_squeeze %dma_start3A_25 : memref<1x128xi32, #tpu.memory_space<vmem>> -> memref<128xi32, #tpu.memory_space<vmem>>
        %dma_start3A_27 = arith.constant 0 : i32
        %dma_start3A_28 = arith.constant 0 : i32
        %dma_start3A_29 = tpu.memref_slice %arg7[%dma_start3A_27, %dma_start3A_28] : memref<10240x128xf32, #tpu.memory_space<vmem_shared>> -> memref<10240x128xf32, #tpu.memory_space<vmem_shared>>
        tpu.enqueue_indirect_dma source(%arg10 : memref<128x128xf32, #tpu.memory_space<vmem>>) target(%dma_start3A_29 : memref<10240x128xf32, #tpu.memory_space<vmem_shared>>) offsets(%dma_start3A_26 : memref<128xi32, #tpu.memory_space<vmem>>) semaphore(%run_scoped3A : memref<!tpu.dma_semaphore, #tpu.memory_space<semaphore_mem>>) {add = true}
        %dma_wait3A_30 = arith.constant 0 : i32
        %dma_wait3A_31 = tpu.memref_slice %arg9[%scan3A_13, %dma_wait3A_30] : memref<40x128xi32, #tpu.memory_space<vmem>> -> memref<1x128xi32, #tpu.memory_space<vmem>>
        %dma_wait3A_32 = tpu.memref_squeeze %dma_wait3A_31 : memref<1x128xi32, #tpu.memory_space<vmem>> -> memref<128xi32, #tpu.memory_space<vmem>>
        %dma_wait3A_33 = arith.constant 0 : i32
        %dma_wait3A_34 = arith.constant 0 : i32
        %dma_wait3A_35 = tpu.memref_slice %arg7[%dma_wait3A_33, %dma_wait3A_34] : memref<10240x128xf32, #tpu.memory_space<vmem_shared>> -> memref<10240x128xf32, #tpu.memory_space<vmem_shared>>
        tpu.wait_indirect_dma semaphore(%run_scoped3A : memref<!tpu.dma_semaphore, #tpu.memory_space<semaphore_mem>>) src(%arg10 : memref<128x128xf32, #tpu.memory_space<vmem>>) dst(%dma_wait3A_35 : memref<10240x128xf32, #tpu.memory_space<vmem_shared>>)
        tpu.yield
      }) : () -> ()
    }
    %scan3A_7 = arith.constant 40 : i32
    %barrier3A_8 = arith.constant 0 : index
    tpu.barrier barrier_id(%barrier3A_8)
    %mul3A_9 = arith.constant 640 : i32
    %mul3A_10 = arith.muli %arg1, %mul3A_9 : i32
    %mul3A_11 = arith.constant 640 : i32
    %mul3A_12 = arith.muli %arg1, %mul3A_11 : i32
    "tpu.region"() ({
      %run_scoped3A = tpu.sem_alloc : memref<!tpu.dma_semaphore, #tpu.memory_space<semaphore_mem>>
      %dma_start3A = arith.constant 0 : i32
      %dma_start3A_13 = tpu.memref_slice %arg6[%arg0, %mul3A_12, %dma_start3A] : memref<2x10240x128xf32, #tpu.memory_space<hbm>> -> memref<1x640x128xf32, #tpu.memory_space<hbm>>
      %dma_start3A_14 = tpu.memref_squeeze %dma_start3A_13 : memref<1x640x128xf32, #tpu.memory_space<hbm>> -> memref<640x128xf32, #tpu.memory_space<hbm>>
      %dma_start3A_15 = arith.constant 0 : i32
      %dma_start3A_16 = tpu.memref_slice %arg7[%mul3A_10, %dma_start3A_15] : memref<10240x128xf32, #tpu.memory_space<vmem_shared>> -> memref<640x128xf32, #tpu.memory_space<vmem_shared>>
      tpu.enqueue_dma source(%dma_start3A_16 : memref<640x128xf32, #tpu.memory_space<vmem_shared>>) target(%dma_start3A_14 : memref<640x128xf32, #tpu.memory_space<hbm>>) target_semaphore(%run_scoped3A : memref<!tpu.dma_semaphore, #tpu.memory_space<semaphore_mem>>)
      %dma_wait3A = arith.constant 0 : i32
      %dma_wait3A_17 = tpu.memref_slice %arg6[%arg0, %mul3A_12, %dma_wait3A] : memref<2x10240x128xf32, #tpu.memory_space<hbm>> -> memref<1x640x128xf32, #tpu.memory_space<hbm>>
      %dma_wait3A_18 = tpu.memref_squeeze %dma_wait3A_17 : memref<1x640x128xf32, #tpu.memory_space<hbm>> -> memref<640x128xf32, #tpu.memory_space<hbm>>
      %dma_wait3A_19 = arith.constant 0 : i32
      %dma_wait3A_20 = tpu.memref_slice %arg7[%mul3A_10, %dma_wait3A_19] : memref<10240x128xf32, #tpu.memory_space<vmem_shared>> -> memref<640x128xf32, #tpu.memory_space<vmem_shared>>
      tpu.wait_dma2 semaphore(%run_scoped3A : memref<!tpu.dma_semaphore, #tpu.memory_space<semaphore_mem>>) src(%dma_wait3A_20 : memref<640x128xf32, #tpu.memory_space<vmem_shared>>) dst(%dma_wait3A_18 : memref<640x128xf32, #tpu.memory_space<hbm>>)
      tpu.yield
    }) : () -> ()
    return
  }
}

#map = affine_map<(d0, d1) -> (0, 0, 0)>
#map1 = affine_map<(d0, d1) -> (0)>
#map2 = affine_map<(d0, d1) -> (0, 0)>
module attributes {stable_mosaic.version = 14 : i64} {
  func.func @deg_kernel(%arg0: i32, %arg1: i32, %arg2: memref<32x40x128xi32, #tpu.memory_space<hbm>>, %arg3: memref<128xf32, #tpu.memory_space<hbm>>, %arg4: memref<640xf32, #tpu.memory_space<hbm>>, %arg5: memref<2x10240xf32, #tpu.memory_space<hbm>>, %arg6: memref<10240xf32, #tpu.memory_space<vmem_shared>>, %arg7: memref<40x128xi32, #tpu.memory_space<vmem>>, %arg8: memref<128xf32, #tpu.memory_space<vmem>>) attributes {dimension_semantics = [#tpu.dimension_semantics<core_parallel>, #tpu.dimension_semantics<subcore_parallel>], iteration_bounds = array<i64: 2, 16>, scalar_prefetch = 0 : i64, scratch_operands = 3 : i64, tpu.core_type = #tpu.core_type<sc_vector_subcore>, window_params = [{transform_indices = #map}, {transform_indices = #map1}, {transform_indices = #map1}, {transform_indices = #map2}]} {
    %mul3A = arith.constant 2 : i32
    %mul3A_0 = arith.muli %arg1, %mul3A : i32
    %add3A = arith.addi %mul3A_0, %arg0 : i32
    %mul3A_1 = arith.constant 640 : i32
    %mul3A_2 = arith.muli %arg1, %mul3A_1 : i32
    "tpu.region"() ({
      %run_scoped3A = tpu.sem_alloc : memref<!tpu.dma_semaphore, #tpu.memory_space<semaphore_mem>>
      %dma_start3A = tpu.memref_slice %arg6[%mul3A_2] : memref<10240xf32, #tpu.memory_space<vmem_shared>> -> memref<640xf32, #tpu.memory_space<vmem_shared>>
      tpu.enqueue_dma source(%arg4 : memref<640xf32, #tpu.memory_space<hbm>>) target(%dma_start3A : memref<640xf32, #tpu.memory_space<vmem_shared>>) target_semaphore(%run_scoped3A : memref<!tpu.dma_semaphore, #tpu.memory_space<semaphore_mem>>)
      %dma_wait3A = tpu.memref_slice %arg6[%mul3A_2] : memref<10240xf32, #tpu.memory_space<vmem_shared>> -> memref<640xf32, #tpu.memory_space<vmem_shared>>
      tpu.wait_dma2 semaphore(%run_scoped3A : memref<!tpu.dma_semaphore, #tpu.memory_space<semaphore_mem>>) src(%arg4 : memref<640xf32, #tpu.memory_space<hbm>>) dst(%dma_wait3A : memref<640xf32, #tpu.memory_space<vmem_shared>>)
      tpu.yield
    }) : () -> ()
    "tpu.region"() ({
      %run_scoped3A = tpu.sem_alloc : memref<!tpu.dma_semaphore, #tpu.memory_space<semaphore_mem>>
      %dma_start3A = arith.constant 0 : i32
      %dma_start3A_13 = arith.constant 0 : i32
      %dma_start3A_14 = tpu.memref_slice %arg2[%add3A, %dma_start3A, %dma_start3A_13] : memref<32x40x128xi32, #tpu.memory_space<hbm>> -> memref<1x40x128xi32, #tpu.memory_space<hbm>>
      %dma_start3A_15 = tpu.memref_squeeze %dma_start3A_14 : memref<1x40x128xi32, #tpu.memory_space<hbm>> -> memref<40x128xi32, #tpu.memory_space<hbm>>
      %dma_start3A_16 = arith.constant 0 : i32
      %dma_start3A_17 = arith.constant 0 : i32
      %dma_start3A_18 = tpu.memref_slice %arg2[%add3A, %dma_start3A_16, %dma_start3A_17] : memref<32x40x128xi32, #tpu.memory_space<hbm>> -> memref<1x40x128xi32, #tpu.memory_space<hbm>>
      %dma_start3A_19 = tpu.memref_squeeze %dma_start3A_18 : memref<1x40x128xi32, #tpu.memory_space<hbm>> -> memref<40x128xi32, #tpu.memory_space<hbm>>
      tpu.enqueue_dma source(%dma_start3A_19 : memref<40x128xi32, #tpu.memory_space<hbm>>) target(%arg7 : memref<40x128xi32, #tpu.memory_space<vmem>>) target_semaphore(%run_scoped3A : memref<!tpu.dma_semaphore, #tpu.memory_space<semaphore_mem>>)
      %dma_wait3A = arith.constant 0 : i32
      %dma_wait3A_20 = arith.constant 0 : i32
      %dma_wait3A_21 = tpu.memref_slice %arg2[%add3A, %dma_wait3A, %dma_wait3A_20] : memref<32x40x128xi32, #tpu.memory_space<hbm>> -> memref<1x40x128xi32, #tpu.memory_space<hbm>>
      %dma_wait3A_22 = tpu.memref_squeeze %dma_wait3A_21 : memref<1x40x128xi32, #tpu.memory_space<hbm>> -> memref<40x128xi32, #tpu.memory_space<hbm>>
      %dma_wait3A_23 = arith.constant 0 : i32
      %dma_wait3A_24 = arith.constant 0 : i32
      %dma_wait3A_25 = tpu.memref_slice %arg2[%add3A, %dma_wait3A_23, %dma_wait3A_24] : memref<32x40x128xi32, #tpu.memory_space<hbm>> -> memref<1x40x128xi32, #tpu.memory_space<hbm>>
      %dma_wait3A_26 = tpu.memref_squeeze %dma_wait3A_25 : memref<1x40x128xi32, #tpu.memory_space<hbm>> -> memref<40x128xi32, #tpu.memory_space<hbm>>
      tpu.wait_dma2 semaphore(%run_scoped3A : memref<!tpu.dma_semaphore, #tpu.memory_space<semaphore_mem>>) src(%dma_wait3A_26 : memref<40x128xi32, #tpu.memory_space<hbm>>) dst(%arg7 : memref<40x128xi32, #tpu.memory_space<vmem>>)
      tpu.yield
    }) : () -> ()
    "tpu.region"() ({
      %run_scoped3A = tpu.sem_alloc : memref<!tpu.dma_semaphore, #tpu.memory_space<semaphore_mem>>
      tpu.enqueue_dma source(%arg3 : memref<128xf32, #tpu.memory_space<hbm>>) target(%arg8 : memref<128xf32, #tpu.memory_space<vmem>>) target_semaphore(%run_scoped3A : memref<!tpu.dma_semaphore, #tpu.memory_space<semaphore_mem>>)
      tpu.wait_dma2 semaphore(%run_scoped3A : memref<!tpu.dma_semaphore, #tpu.memory_space<semaphore_mem>>) src(%arg3 : memref<128xf32, #tpu.memory_space<hbm>>) dst(%arg8 : memref<128xf32, #tpu.memory_space<vmem>>)
      tpu.yield
    }) : () -> ()
    %barrier3A = arith.constant 0 : index
    tpu.barrier barrier_id(%barrier3A)
    %scan3A = arith.constant 0 : i32
    %scan3A_3 = arith.constant 0 : i32
    %scan3A_4 = arith.constant 40 : i32
    %scan3A_5 = arith.addi %scan3A_3, %scan3A_4 : i32
    %scan3A_6 = arith.constant 1 : i32
    scf.for %scan3A_13 = %scan3A_3 to %scan3A_5 step %scan3A_6  : i32 {
      "tpu.region"() ({
        %run_scoped3A = tpu.sem_alloc : memref<!tpu.dma_semaphore, #tpu.memory_space<semaphore_mem>>
        %dma_start3A = arith.constant 0 : i32
        %dma_start3A_14 = tpu.memref_slice %arg7[%scan3A_13, %dma_start3A] : memref<40x128xi32, #tpu.memory_space<vmem>> -> memref<1x128xi32, #tpu.memory_space<vmem>>
        %dma_start3A_15 = tpu.memref_squeeze %dma_start3A_14 : memref<1x128xi32, #tpu.memory_space<vmem>> -> memref<128xi32, #tpu.memory_space<vmem>>
        %dma_start3A_16 = arith.constant 0 : i32
        %dma_start3A_17 = tpu.memref_slice %arg6[%dma_start3A_16] : memref<10240xf32, #tpu.memory_space<vmem_shared>> -> memref<10240xf32, #tpu.memory_space<vmem_shared>>
        tpu.enqueue_indirect_dma source(%arg8 : memref<128xf32, #tpu.memory_space<vmem>>) target(%dma_start3A_17 : memref<10240xf32, #tpu.memory_space<vmem_shared>>) offsets(%dma_start3A_15 : memref<128xi32, #tpu.memory_space<vmem>>) semaphore(%run_scoped3A : memref<!tpu.dma_semaphore, #tpu.memory_space<semaphore_mem>>) {add = true}
        %dma_wait3A = arith.constant 0 : i32
        %dma_wait3A_18 = tpu.memref_slice %arg7[%scan3A_13, %dma_wait3A] : memref<40x128xi32, #tpu.memory_space<vmem>> -> memref<1x128xi32, #tpu.memory_space<vmem>>
        %dma_wait3A_19 = tpu.memref_squeeze %dma_wait3A_18 : memref<1x128xi32, #tpu.memory_space<vmem>> -> memref<128xi32, #tpu.memory_space<vmem>>
        %dma_wait3A_20 = arith.constant 0 : i32
        %dma_wait3A_21 = tpu.memref_slice %arg6[%dma_wait3A_20] : memref<10240xf32, #tpu.memory_space<vmem_shared>> -> memref<10240xf32, #tpu.memory_space<vmem_shared>>
        tpu.wait_indirect_dma semaphore(%run_scoped3A : memref<!tpu.dma_semaphore, #tpu.memory_space<semaphore_mem>>) src(%arg8 : memref<128xf32, #tpu.memory_space<vmem>>) dst(%dma_wait3A_21 : memref<10240xf32, #tpu.memory_space<vmem_shared>>)
        tpu.yield
      }) : () -> ()
    }
    %scan3A_7 = arith.constant 40 : i32
    %barrier3A_8 = arith.constant 0 : index
    tpu.barrier barrier_id(%barrier3A_8)
    %mul3A_9 = arith.constant 640 : i32
    %mul3A_10 = arith.muli %arg1, %mul3A_9 : i32
    %mul3A_11 = arith.constant 640 : i32
    %mul3A_12 = arith.muli %arg1, %mul3A_11 : i32
    "tpu.region"() ({
      %run_scoped3A = tpu.sem_alloc : memref<!tpu.dma_semaphore, #tpu.memory_space<semaphore_mem>>
      %dma_start3A = tpu.memref_slice %arg5[%arg0, %mul3A_12] : memref<2x10240xf32, #tpu.memory_space<hbm>> -> memref<1x640xf32, #tpu.memory_space<hbm>>
      %dma_start3A_13 = tpu.memref_squeeze %dma_start3A : memref<1x640xf32, #tpu.memory_space<hbm>> -> memref<640xf32, #tpu.memory_space<hbm>>
      %dma_start3A_14 = tpu.memref_slice %arg6[%mul3A_10] : memref<10240xf32, #tpu.memory_space<vmem_shared>> -> memref<640xf32, #tpu.memory_space<vmem_shared>>
      tpu.enqueue_dma source(%dma_start3A_14 : memref<640xf32, #tpu.memory_space<vmem_shared>>) target(%dma_start3A_13 : memref<640xf32, #tpu.memory_space<hbm>>) target_semaphore(%run_scoped3A : memref<!tpu.dma_semaphore, #tpu.memory_space<semaphore_mem>>)
      %dma_wait3A = tpu.memref_slice %arg5[%arg0, %mul3A_12] : memref<2x10240xf32, #tpu.memory_space<hbm>> -> memref<1x640xf32, #tpu.memory_space<hbm>>
      %dma_wait3A_15 = tpu.memref_squeeze %dma_wait3A : memref<1x640xf32, #tpu.memory_space<hbm>> -> memref<640xf32, #tpu.memory_space<hbm>>
      %dma_wait3A_16 = tpu.memref_slice %arg6[%mul3A_10] : memref<10240xf32, #tpu.memory_space<vmem_shared>> -> memref<640xf32, #tpu.memory_space<vmem_shared>>
      tpu.wait_dma2 semaphore(%run_scoped3A : memref<!tpu.dma_semaphore, #tpu.memory_space<semaphore_mem>>) src(%dma_wait3A_16 : memref<640xf32, #tpu.memory_space<vmem_shared>>) dst(%dma_wait3A_15 : memref<640xf32, #tpu.memory_space<hbm>>)
      tpu.yield
    }) : () -> ()
    return
  }
}

#map = affine_map<(d0, d1) -> (0, 0)>
#map1 = affine_map<(d0, d1) -> (0, 0, 0)>
module attributes {stable_mosaic.version = 14 : i64} {
  func.func @prop_kernel(%arg0: i32, %arg1: i32, %arg2: memref<10240x128xf32, #tpu.memory_space<hbm>>, %arg3: memref<32x40x128xi32, #tpu.memory_space<hbm>>, %arg4: memref<32x40x128xi32, #tpu.memory_space<hbm>>, %arg5: memref<640x128xf32, #tpu.memory_space<hbm>>, %arg6: memref<2x10240x128xf32, #tpu.memory_space<hbm>>, %arg7: memref<10240x128xf32, #tpu.memory_space<vmem_shared>>, %arg8: memref<40x128xi32, #tpu.memory_space<vmem>>, %arg9: memref<40x128xi32, #tpu.memory_space<vmem>>, %arg10: memref<128x128xf32, #tpu.memory_space<vmem>>, %arg11: memref<!tpu.dma_semaphore, #tpu.memory_space<semaphore_mem>>) attributes {dimension_semantics = [#tpu.dimension_semantics<core_parallel>, #tpu.dimension_semantics<subcore_parallel>], iteration_bounds = array<i64: 2, 16>, scalar_prefetch = 0 : i64, scratch_operands = 5 : i64, tpu.core_type = #tpu.core_type<sc_vector_subcore>, window_params = [{transform_indices = #map}, {transform_indices = #map1}, {transform_indices = #map1}, {transform_indices = #map}, {transform_indices = #map1}]} {
    %mul3A = arith.constant 2 : i32
    %mul3A_0 = arith.muli %arg1, %mul3A : i32
    %add3A = arith.addi %mul3A_0, %arg0 : i32
    %mul3A_1 = arith.constant 640 : i32
    %mul3A_2 = arith.muli %arg1, %mul3A_1 : i32
    "tpu.region"() ({
      %run_scoped3A = tpu.sem_alloc : memref<!tpu.dma_semaphore, #tpu.memory_space<semaphore_mem>>
      %dma_start3A = arith.constant 0 : i32
      %dma_start3A_13 = tpu.memref_slice %arg7[%mul3A_2, %dma_start3A] : memref<10240x128xf32, #tpu.memory_space<vmem_shared>> -> memref<640x128xf32, #tpu.memory_space<vmem_shared>>
      tpu.enqueue_dma source(%arg5 : memref<640x128xf32, #tpu.memory_space<hbm>>) target(%dma_start3A_13 : memref<640x128xf32, #tpu.memory_space<vmem_shared>>) target_semaphore(%run_scoped3A : memref<!tpu.dma_semaphore, #tpu.memory_space<semaphore_mem>>)
      %dma_wait3A = arith.constant 0 : i32
      %dma_wait3A_14 = tpu.memref_slice %arg7[%mul3A_2, %dma_wait3A] : memref<10240x128xf32, #tpu.memory_space<vmem_shared>> -> memref<640x128xf32, #tpu.memory_space<vmem_shared>>
      tpu.wait_dma2 semaphore(%run_scoped3A : memref<!tpu.dma_semaphore, #tpu.memory_space<semaphore_mem>>) src(%arg5 : memref<640x128xf32, #tpu.memory_space<hbm>>) dst(%dma_wait3A_14 : memref<640x128xf32, #tpu.memory_space<vmem_shared>>)
      tpu.yield
    }) : () -> ()
    "tpu.region"() ({
      %run_scoped3A = tpu.sem_alloc : memref<!tpu.dma_semaphore, #tpu.memory_space<semaphore_mem>>
      %dma_start3A = arith.constant 0 : i32
      %dma_start3A_13 = arith.constant 0 : i32
      %dma_start3A_14 = tpu.memref_slice %arg3[%add3A, %dma_start3A, %dma_start3A_13] : memref<32x40x128xi32, #tpu.memory_space<hbm>> -> memref<1x40x128xi32, #tpu.memory_space<hbm>>
      %dma_start3A_15 = tpu.memref_squeeze %dma_start3A_14 : memref<1x40x128xi32, #tpu.memory_space<hbm>> -> memref<40x128xi32, #tpu.memory_space<hbm>>
      %dma_start3A_16 = arith.constant 0 : i32
      %dma_start3A_17 = arith.constant 0 : i32
      %dma_start3A_18 = tpu.memref_slice %arg3[%add3A, %dma_start3A_16, %dma_start3A_17] : memref<32x40x128xi32, #tpu.memory_space<hbm>> -> memref<1x40x128xi32, #tpu.memory_space<hbm>>
      %dma_start3A_19 = tpu.memref_squeeze %dma_start3A_18 : memref<1x40x128xi32, #tpu.memory_space<hbm>> -> memref<40x128xi32, #tpu.memory_space<hbm>>
      tpu.enqueue_dma source(%dma_start3A_19 : memref<40x128xi32, #tpu.memory_space<hbm>>) target(%arg8 : memref<40x128xi32, #tpu.memory_space<vmem>>) target_semaphore(%run_scoped3A : memref<!tpu.dma_semaphore, #tpu.memory_space<semaphore_mem>>)
      %dma_wait3A = arith.constant 0 : i32
      %dma_wait3A_20 = arith.constant 0 : i32
      %dma_wait3A_21 = tpu.memref_slice %arg3[%add3A, %dma_wait3A, %dma_wait3A_20] : memref<32x40x128xi32, #tpu.memory_space<hbm>> -> memref<1x40x128xi32, #tpu.memory_space<hbm>>
      %dma_wait3A_22 = tpu.memref_squeeze %dma_wait3A_21 : memref<1x40x128xi32, #tpu.memory_space<hbm>> -> memref<40x128xi32, #tpu.memory_space<hbm>>
      %dma_wait3A_23 = arith.constant 0 : i32
      %dma_wait3A_24 = arith.constant 0 : i32
      %dma_wait3A_25 = tpu.memref_slice %arg3[%add3A, %dma_wait3A_23, %dma_wait3A_24] : memref<32x40x128xi32, #tpu.memory_space<hbm>> -> memref<1x40x128xi32, #tpu.memory_space<hbm>>
      %dma_wait3A_26 = tpu.memref_squeeze %dma_wait3A_25 : memref<1x40x128xi32, #tpu.memory_space<hbm>> -> memref<40x128xi32, #tpu.memory_space<hbm>>
      tpu.wait_dma2 semaphore(%run_scoped3A : memref<!tpu.dma_semaphore, #tpu.memory_space<semaphore_mem>>) src(%dma_wait3A_26 : memref<40x128xi32, #tpu.memory_space<hbm>>) dst(%arg8 : memref<40x128xi32, #tpu.memory_space<vmem>>)
      tpu.yield
    }) : () -> ()
    "tpu.region"() ({
      %run_scoped3A = tpu.sem_alloc : memref<!tpu.dma_semaphore, #tpu.memory_space<semaphore_mem>>
      %dma_start3A = arith.constant 0 : i32
      %dma_start3A_13 = arith.constant 0 : i32
      %dma_start3A_14 = tpu.memref_slice %arg4[%add3A, %dma_start3A, %dma_start3A_13] : memref<32x40x128xi32, #tpu.memory_space<hbm>> -> memref<1x40x128xi32, #tpu.memory_space<hbm>>
      %dma_start3A_15 = tpu.memref_squeeze %dma_start3A_14 : memref<1x40x128xi32, #tpu.memory_space<hbm>> -> memref<40x128xi32, #tpu.memory_space<hbm>>
      %dma_start3A_16 = arith.constant 0 : i32
      %dma_start3A_17 = arith.constant 0 : i32
      %dma_start3A_18 = tpu.memref_slice %arg4[%add3A, %dma_start3A_16, %dma_start3A_17] : memref<32x40x128xi32, #tpu.memory_space<hbm>> -> memref<1x40x128xi32, #tpu.memory_space<hbm>>
      %dma_start3A_19 = tpu.memref_squeeze %dma_start3A_18 : memref<1x40x128xi32, #tpu.memory_space<hbm>> -> memref<40x128xi32, #tpu.memory_space<hbm>>
      tpu.enqueue_dma source(%dma_start3A_19 : memref<40x128xi32, #tpu.memory_space<hbm>>) target(%arg9 : memref<40x128xi32, #tpu.memory_space<vmem>>) target_semaphore(%run_scoped3A : memref<!tpu.dma_semaphore, #tpu.memory_space<semaphore_mem>>)
      %dma_wait3A = arith.constant 0 : i32
      %dma_wait3A_20 = arith.constant 0 : i32
      %dma_wait3A_21 = tpu.memref_slice %arg4[%add3A, %dma_wait3A, %dma_wait3A_20] : memref<32x40x128xi32, #tpu.memory_space<hbm>> -> memref<1x40x128xi32, #tpu.memory_space<hbm>>
      %dma_wait3A_22 = tpu.memref_squeeze %dma_wait3A_21 : memref<1x40x128xi32, #tpu.memory_space<hbm>> -> memref<40x128xi32, #tpu.memory_space<hbm>>
      %dma_wait3A_23 = arith.constant 0 : i32
      %dma_wait3A_24 = arith.constant 0 : i32
      %dma_wait3A_25 = tpu.memref_slice %arg4[%add3A, %dma_wait3A_23, %dma_wait3A_24] : memref<32x40x128xi32, #tpu.memory_space<hbm>> -> memref<1x40x128xi32, #tpu.memory_space<hbm>>
      %dma_wait3A_26 = tpu.memref_squeeze %dma_wait3A_25 : memref<1x40x128xi32, #tpu.memory_space<hbm>> -> memref<40x128xi32, #tpu.memory_space<hbm>>
      tpu.wait_dma2 semaphore(%run_scoped3A : memref<!tpu.dma_semaphore, #tpu.memory_space<semaphore_mem>>) src(%dma_wait3A_26 : memref<40x128xi32, #tpu.memory_space<hbm>>) dst(%arg9 : memref<40x128xi32, #tpu.memory_space<vmem>>)
      tpu.yield
    }) : () -> ()
    %barrier3A = arith.constant 0 : index
    tpu.barrier barrier_id(%barrier3A)
    %scan3A = arith.constant 0 : i32
    %scan3A_3 = arith.constant 0 : i32
    %scan3A_4 = arith.constant 40 : i32
    %scan3A_5 = arith.addi %scan3A_3, %scan3A_4 : i32
    %scan3A_6 = arith.constant 1 : i32
    scf.for %scan3A_13 = %scan3A_3 to %scan3A_5 step %scan3A_6  : i32 {
      %dma_start3A = arith.constant 0 : i32
      %dma_start3A_14 = tpu.memref_slice %arg8[%scan3A_13, %dma_start3A] : memref<40x128xi32, #tpu.memory_space<vmem>> -> memref<1x128xi32, #tpu.memory_space<vmem>>
      %dma_start3A_15 = tpu.memref_squeeze %dma_start3A_14 : memref<1x128xi32, #tpu.memory_space<vmem>> -> memref<128xi32, #tpu.memory_space<vmem>>
      %dma_start3A_16 = arith.constant 0 : i32
      %dma_start3A_17 = arith.constant 0 : i32
      %dma_start3A_18 = tpu.memref_slice %arg2[%dma_start3A_16, %dma_start3A_17] : memref<10240x128xf32, #tpu.memory_space<hbm>> -> memref<10240x128xf32, #tpu.memory_space<hbm>>
      tpu.enqueue_indirect_dma source(%dma_start3A_18 : memref<10240x128xf32, #tpu.memory_space<hbm>>) target(%arg10 : memref<128x128xf32, #tpu.memory_space<vmem>>) offsets(%dma_start3A_15 : memref<128xi32, #tpu.memory_space<vmem>>) semaphore(%arg11 : memref<!tpu.dma_semaphore, #tpu.memory_space<semaphore_mem>>)
      %dma_wait3A = arith.constant 0 : i32
      %dma_wait3A_19 = tpu.memref_slice %arg8[%scan3A_13, %dma_wait3A] : memref<40x128xi32, #tpu.memory_space<vmem>> -> memref<1x128xi32, #tpu.memory_space<vmem>>
      %dma_wait3A_20 = tpu.memref_squeeze %dma_wait3A_19 : memref<1x128xi32, #tpu.memory_space<vmem>> -> memref<128xi32, #tpu.memory_space<vmem>>
      %dma_wait3A_21 = arith.constant 0 : i32
      %dma_wait3A_22 = arith.constant 0 : i32
      %dma_wait3A_23 = tpu.memref_slice %arg2[%dma_wait3A_21, %dma_wait3A_22] : memref<10240x128xf32, #tpu.memory_space<hbm>> -> memref<10240x128xf32, #tpu.memory_space<hbm>>
      tpu.wait_indirect_dma semaphore(%arg11 : memref<!tpu.dma_semaphore, #tpu.memory_space<semaphore_mem>>) src(%dma_wait3A_23 : memref<10240x128xf32, #tpu.memory_space<hbm>>) dst(%arg10 : memref<128x128xf32, #tpu.memory_space<vmem>>)
      "tpu.region"() ({
        %run_scoped3A = tpu.sem_alloc : memref<!tpu.dma_semaphore, #tpu.memory_space<semaphore_mem>>
        %dma_start3A_24 = arith.constant 0 : i32
        %dma_start3A_25 = tpu.memref_slice %arg9[%scan3A_13, %dma_start3A_24] : memref<40x128xi32, #tpu.memory_space<vmem>> -> memref<1x128xi32, #tpu.memory_space<vmem>>
        %dma_start3A_26 = tpu.memref_squeeze %dma_start3A_25 : memref<1x128xi32, #tpu.memory_space<vmem>> -> memref<128xi32, #tpu.memory_space<vmem>>
        %dma_start3A_27 = arith.constant 0 : i32
        %dma_start3A_28 = arith.constant 0 : i32
        %dma_start3A_29 = tpu.memref_slice %arg7[%dma_start3A_27, %dma_start3A_28] : memref<10240x128xf32, #tpu.memory_space<vmem_shared>> -> memref<10240x128xf32, #tpu.memory_space<vmem_shared>>
        tpu.enqueue_indirect_dma source(%arg10 : memref<128x128xf32, #tpu.memory_space<vmem>>) target(%dma_start3A_29 : memref<10240x128xf32, #tpu.memory_space<vmem_shared>>) offsets(%dma_start3A_26 : memref<128xi32, #tpu.memory_space<vmem>>) semaphore(%run_scoped3A : memref<!tpu.dma_semaphore, #tpu.memory_space<semaphore_mem>>) {add = true}
        %dma_wait3A_30 = arith.constant 0 : i32
        %dma_wait3A_31 = tpu.memref_slice %arg9[%scan3A_13, %dma_wait3A_30] : memref<40x128xi32, #tpu.memory_space<vmem>> -> memref<1x128xi32, #tpu.memory_space<vmem>>
        %dma_wait3A_32 = tpu.memref_squeeze %dma_wait3A_31 : memref<1x128xi32, #tpu.memory_space<vmem>> -> memref<128xi32, #tpu.memory_space<vmem>>
        %dma_wait3A_33 = arith.constant 0 : i32
        %dma_wait3A_34 = arith.constant 0 : i32
        %dma_wait3A_35 = tpu.memref_slice %arg7[%dma_wait3A_33, %dma_wait3A_34] : memref<10240x128xf32, #tpu.memory_space<vmem_shared>> -> memref<10240x128xf32, #tpu.memory_space<vmem_shared>>
        tpu.wait_indirect_dma semaphore(%run_scoped3A : memref<!tpu.dma_semaphore, #tpu.memory_space<semaphore_mem>>) src(%arg10 : memref<128x128xf32, #tpu.memory_space<vmem>>) dst(%dma_wait3A_35 : memref<10240x128xf32, #tpu.memory_space<vmem_shared>>)
        tpu.yield
      }) : () -> ()
    }
    %scan3A_7 = arith.constant 40 : i32
    %barrier3A_8 = arith.constant 0 : index
    tpu.barrier barrier_id(%barrier3A_8)
    %mul3A_9 = arith.constant 640 : i32
    %mul3A_10 = arith.muli %arg1, %mul3A_9 : i32
    %mul3A_11 = arith.constant 640 : i32
    %mul3A_12 = arith.muli %arg1, %mul3A_11 : i32
    "tpu.region"() ({
      %run_scoped3A = tpu.sem_alloc : memref<!tpu.dma_semaphore, #tpu.memory_space<semaphore_mem>>
      %dma_start3A = arith.constant 0 : i32
      %dma_start3A_13 = tpu.memref_slice %arg6[%arg0, %mul3A_12, %dma_start3A] : memref<2x10240x128xf32, #tpu.memory_space<hbm>> -> memref<1x640x128xf32, #tpu.memory_space<hbm>>
      %dma_start3A_14 = tpu.memref_squeeze %dma_start3A_13 : memref<1x640x128xf32, #tpu.memory_space<hbm>> -> memref<640x128xf32, #tpu.memory_space<hbm>>
      %dma_start3A_15 = arith.constant 0 : i32
      %dma_start3A_16 = tpu.memref_slice %arg7[%mul3A_10, %dma_start3A_15] : memref<10240x128xf32, #tpu.memory_space<vmem_shared>> -> memref<640x128xf32, #tpu.memory_space<vmem_shared>>
      tpu.enqueue_dma source(%dma_start3A_16 : memref<640x128xf32, #tpu.memory_space<vmem_shared>>) target(%dma_start3A_14 : memref<640x128xf32, #tpu.memory_space<hbm>>) target_semaphore(%run_scoped3A : memref<!tpu.dma_semaphore, #tpu.memory_space<semaphore_mem>>)
      %dma_wait3A = arith.constant 0 : i32
      %dma_wait3A_17 = tpu.memref_slice %arg6[%arg0, %mul3A_12, %dma_wait3A] : memref<2x10240x128xf32, #tpu.memory_space<hbm>> -> memref<1x640x128xf32, #tpu.memory_space<hbm>>
      %dma_wait3A_18 = tpu.memref_squeeze %dma_wait3A_17 : memref<1x640x128xf32, #tpu.memory_space<hbm>> -> memref<640x128xf32, #tpu.memory_space<hbm>>
      %dma_wait3A_19 = arith.constant 0 : i32
      %dma_wait3A_20 = tpu.memref_slice %arg7[%mul3A_10, %dma_wait3A_19] : memref<10240x128xf32, #tpu.memory_space<vmem_shared>> -> memref<640x128xf32, #tpu.memory_space<vmem_shared>>
      tpu.wait_dma2 semaphore(%run_scoped3A : memref<!tpu.dma_semaphore, #tpu.memory_space<semaphore_mem>>) src(%dma_wait3A_20 : memref<640x128xf32, #tpu.memory_space<vmem_shared>>) dst(%dma_wait3A_18 : memref<640x128xf32, #tpu.memory_space<hbm>>)
      tpu.yield
    }) : () -> ()
    return
  }
}

module attributes {stable_mosaic.version = 14 : i64} {
  func.func @_mm_scale_body(%arg0: i32, %arg1: memref<1024x256xf32, #tpu.memory_space<vmem>>, %arg2: memref<256x128xf32, #tpu.memory_space<vmem>>, %arg3: memref<1024x1xf32, #tpu.memory_space<vmem>>, %arg4: memref<1024x128xf32, #tpu.memory_space<vmem>>) attributes {dimension_semantics = [#tpu.dimension_semantics<arbitrary>], iteration_bounds = array<i64: 10>, scalar_prefetch = 0 : i64, scratch_operands = 0 : i64, tpu.core_type = #tpu.core_type<tc>, window_params = [{transform_indices = @transform_0, window_bounds = array<i64: 1024, 256>}, {pipeline_mode = #tpu.pipeline_mode<synchronous>, transform_indices = @transform_1, window_bounds = array<i64: 256, 128>}, {transform_indices = @transform_2, window_bounds = array<i64: 1024, 1>}, {transform_indices = @transform_3, window_bounds = array<i64: 1024, 128>}]} {
    %get3A = arith.constant 0 : index
    %get3A_0 = arith.constant 0 : index
    %get3A_1 = vector.load %arg3[%get3A, %get3A_0] : memref<1024x1xf32, #tpu.memory_space<vmem>>, vector<1024x1xf32>
    %add3A = arith.constant 1.000000e+00 : f32
    %add3A_2 = vector.broadcast %add3A : f32 to vector<1024x1xf32>
    %add3A_3 = arith.addf %add3A_2, %get3A_1 : vector<1024x1xf32>
    %sqrt3A = math.sqrt %add3A_3 : vector<1024x1xf32>
    %div3A = arith.constant 1.000000e+00 : f32
    %div3A_4 = vector.broadcast %div3A : f32 to vector<1024x1xf32>
    %div3A_5 = arith.divf %div3A_4, %sqrt3A : vector<1024x1xf32>
    %get3A_6 = arith.constant 0 : index
    %get3A_7 = arith.constant 0 : index
    %get3A_8 = vector.load %arg1[%get3A_6, %get3A_7] : memref<1024x256xf32, #tpu.memory_space<vmem>>, vector<1024x256xf32>
    %get3A_9 = arith.constant 0 : index
    %get3A_10 = arith.constant 0 : index
    %get3A_11 = vector.load %arg2[%get3A_9, %get3A_10] : memref<256x128xf32, #tpu.memory_space<vmem>>, vector<256x128xf32>
    %dot_general3A = arith.constant dense<0.000000e+00> : vector<1024x128xf32>
    %dot_general3A_12 = tpu.matmul %get3A_8, %get3A_11, %dot_general3A {dimension_numbers = #tpu.dot_dimension_numbers<[1], [0], [0], [1], [0, 0, 1, 1], [], []>, precision = #tpu.contract_precision<fp32>, transpose_lhs_hint = false} : vector<1024x256xf32>, vector<256x128xf32>, vector<1024x128xf32> -> vector<1024x128xf32>
    %mul3A = vector.broadcast %div3A_5 : vector<1024x1xf32> to vector<1024x128xf32>
    %mul3A_13 = arith.mulf %dot_general3A_12, %mul3A : vector<1024x128xf32>
    %swap3A = arith.constant 0 : index
    %swap3A_14 = arith.constant 0 : index
    %swap3A_15 = vector.load %arg4[%swap3A, %swap3A_14] : memref<1024x128xf32, #tpu.memory_space<vmem>>, vector<1024x128xf32>
    tpu.vector_store %arg4[%swap3A, %swap3A_14], %mul3A_13 {strides = array<i32>} : memref<1024x128xf32, #tpu.memory_space<vmem>>, vector<1024x128xf32>,
    return
  }
  func.func @transform_0(%arg0: i32) -> (i32, i32) {
    %c0_i32 = arith.constant 0 : i32
    %c0_i32_0 = arith.constant 0 : i32
    return %arg0, %c0_i32 : i32, i32
  }
  func.func @transform_1(%arg0: i32) -> (i32, i32) {
    %c0_i32 = arith.constant 0 : i32
    %c0_i32_0 = arith.constant 0 : i32
    %c0_i32_1 = arith.constant 0 : i32
    return %c0_i32, %c0_i32_0 : i32, i32
  }
  func.func @transform_2(%arg0: i32) -> (i32, i32) {
    %c0_i32 = arith.constant 0 : i32
    %c0_i32_0 = arith.constant 0 : i32
    return %arg0, %c0_i32 : i32, i32
  }
  func.func @transform_3(%arg0: i32) -> (i32, i32) {
    %c0_i32 = arith.constant 0 : i32
    %c0_i32_0 = arith.constant 0 : i32
    return %arg0, %c0_i32 : i32, i32
  }
}

module attributes {stable_mosaic.version = 14 : i64} {
  func.func @_layer_body(%arg0: i32, %arg1: memref<2x1024x128xf32, #tpu.memory_space<vmem>>, %arg2: memref<1024x128xf32, #tpu.memory_space<vmem>>, %arg3: memref<1024x1xf32, #tpu.memory_space<vmem>>, %arg4: memref<1x128xf32, #tpu.memory_space<vmem>>, %arg5: memref<1x128xf32, #tpu.memory_space<vmem>>, %arg6: memref<1x128xf32, #tpu.memory_space<vmem>>, %arg7: memref<128x128xf32, #tpu.memory_space<vmem>>, %arg8: memref<1024x128xf32, #tpu.memory_space<vmem>>) attributes {dimension_semantics = [#tpu.dimension_semantics<arbitrary>], iteration_bounds = array<i64: 10>, scalar_prefetch = 0 : i64, scratch_operands = 0 : i64, tpu.core_type = #tpu.core_type<tc>, window_params = [{transform_indices = @transform_0, window_bounds = array<i64: 2, 1024, 128>}, {transform_indices = @transform_1, window_bounds = array<i64: 1024, 128>}, {transform_indices = @transform_2, window_bounds = array<i64: 1024, 1>}, {pipeline_mode = #tpu.pipeline_mode<synchronous>, transform_indices = @transform_3, window_bounds = array<i64: 1, 128>}, {pipeline_mode = #tpu.pipeline_mode<synchronous>, transform_indices = @transform_4, window_bounds = array<i64: 1, 128>}, {pipeline_mode = #tpu.pipeline_mode<synchronous>, transform_indices = @transform_5, window_bounds = array<i64: 1, 128>}, {pipeline_mode = #tpu.pipeline_mode<synchronous>, transform_indices = @transform_6, window_bounds = array<i64: 128, 128>}, {transform_indices = @transform_7, window_bounds = array<i64: 1024, 128>}]} {
    %get3A = arith.constant 0 : index
    %get3A_0 = arith.constant 0 : index
    %get3A_1 = vector.load %arg3[%get3A, %get3A_0] : memref<1024x1xf32, #tpu.memory_space<vmem>>, vector<1024x1xf32>
    %add3A = arith.constant 1.000000e+00 : f32
    %add3A_2 = vector.broadcast %add3A : f32 to vector<1024x1xf32>
    %add3A_3 = arith.addf %add3A_2, %get3A_1 : vector<1024x1xf32>
    %sqrt3A = math.sqrt %add3A_3 : vector<1024x1xf32>
    %div3A = arith.constant 1.000000e+00 : f32
    %div3A_4 = vector.broadcast %div3A : f32 to vector<1024x1xf32>
    %div3A_5 = arith.divf %div3A_4, %sqrt3A : vector<1024x1xf32>
    %get3A_6 = arith.constant 0 : index
    %get3A_7 = arith.constant 0 : index
    %get3A_8 = arith.constant 0 : index
    %get3A_9 = vector.load %arg1[%get3A_6, %get3A_7, %get3A_8] : memref<2x1024x128xf32, #tpu.memory_space<vmem>>, vector<1x1024x128xf32>
    %get3A_10 = vector.shape_cast %get3A_9 : vector<1x1024x128xf32> to vector<1024x128xf32>
    %get3A_11 = arith.constant 1 : index
    %get3A_12 = arith.constant 0 : index
    %get3A_13 = arith.constant 0 : index
    %get3A_14 = vector.load %arg1[%get3A_11, %get3A_12, %get3A_13] : memref<2x1024x128xf32, #tpu.memory_space<vmem>>, vector<1x1024x128xf32>
    %get3A_15 = vector.shape_cast %get3A_14 : vector<1x1024x128xf32> to vector<1024x128xf32>
    %add3A_16 = arith.addf %get3A_10, %get3A_15 : vector<1024x128xf32>
    %get3A_17 = arith.constant 0 : index
    %get3A_18 = arith.constant 0 : index
    %get3A_19 = vector.load %arg2[%get3A_17, %get3A_18] : memref<1024x128xf32, #tpu.memory_space<vmem>>, vector<1024x128xf32>
    %add3A_20 = arith.addf %add3A_16, %get3A_19 : vector<1024x128xf32>
    %mul3A = vector.broadcast %div3A_5 : vector<1024x1xf32> to vector<1024x128xf32>
    %mul3A_21 = arith.mulf %add3A_20, %mul3A : vector<1024x128xf32>
    %get3A_22 = arith.constant 0 : index
    %get3A_23 = arith.constant 0 : index
    %get3A_24 = vector.load %arg4[%get3A_22, %get3A_23] : memref<1x128xf32, #tpu.memory_space<vmem>>, vector<1x128xf32>
    %add3A_25 = vector.broadcast %get3A_24 : vector<1x128xf32> to vector<1024x128xf32>
    %add3A_26 = arith.addf %mul3A_21, %add3A_25 : vector<1024x128xf32>
    %get3A_27 = arith.constant 0 : index
    %get3A_28 = arith.constant 0 : index
    %get3A_29 = vector.load %arg5[%get3A_27, %get3A_28] : memref<1x128xf32, #tpu.memory_space<vmem>>, vector<1x128xf32>
    %mul3A_30 = arith.constant 0.999994993 : f32
    %mul3A_31 = vector.broadcast %mul3A_30 : f32 to vector<1x128xf32>
    %mul3A_32 = arith.mulf %get3A_29, %mul3A_31 : vector<1x128xf32>
    %mul3A_33 = vector.broadcast %mul3A_32 : vector<1x128xf32> to vector<1024x128xf32>
    %mul3A_34 = arith.mulf %add3A_26, %mul3A_33 : vector<1024x128xf32>
    %get3A_35 = arith.constant 0 : index
    %get3A_36 = arith.constant 0 : index
    %get3A_37 = vector.load %arg6[%get3A_35, %get3A_36] : memref<1x128xf32, #tpu.memory_space<vmem>>, vector<1x128xf32>
    %add3A_38 = vector.broadcast %get3A_37 : vector<1x128xf32> to vector<1024x128xf32>
    %add3A_39 = arith.addf %mul3A_34, %add3A_38 : vector<1024x128xf32>
    %max3A = arith.constant 0.000000e+00 : f32
    %max3A_40 = vector.broadcast %max3A : f32 to vector<1024x128xf32>
    %max3A_41 = arith.maximumf %add3A_39, %max3A_40 : vector<1024x128xf32>
    %get3A_42 = arith.constant 0 : index
    %get3A_43 = arith.constant 0 : index
    %get3A_44 = vector.load %arg7[%get3A_42, %get3A_43] : memref<128x128xf32, #tpu.memory_space<vmem>>, vector<128x128xf32>
    %dot_general3A = arith.constant dense<0.000000e+00> : vector<1024x128xf32>
    %dot_general3A_45 = tpu.matmul %max3A_41, %get3A_44, %dot_general3A {dimension_numbers = #tpu.dot_dimension_numbers<[1], [0], [0], [1], [0, 0, 1, 1], [], []>, precision = #tpu.contract_precision<fp32>, transpose_lhs_hint = false} : vector<1024x128xf32>, vector<128x128xf32>, vector<1024x128xf32> -> vector<1024x128xf32>
    %mul3A_46 = vector.broadcast %div3A_5 : vector<1024x1xf32> to vector<1024x128xf32>
    %mul3A_47 = arith.mulf %dot_general3A_45, %mul3A_46 : vector<1024x128xf32>
    %swap3A = arith.constant 0 : index
    %swap3A_48 = arith.constant 0 : index
    %swap3A_49 = vector.load %arg8[%swap3A, %swap3A_48] : memref<1024x128xf32, #tpu.memory_space<vmem>>, vector<1024x128xf32>
    tpu.vector_store %arg8[%swap3A, %swap3A_48], %mul3A_47 {strides = array<i32>} : memref<1024x128xf32, #tpu.memory_space<vmem>>, vector<1024x128xf32>,
    return
  }
  func.func @transform_0(%arg0: i32) -> (i32, i32, i32) {
    %c0_i32 = arith.constant 0 : i32
    %c0_i32_0 = arith.constant 0 : i32
    %c0_i32_1 = arith.constant 0 : i32
    return %c0_i32, %arg0, %c0_i32_0 : i32, i32, i32
  }
  func.func @transform_1(%arg0: i32) -> (i32, i32) {
    %c0_i32 = arith.constant 0 : i32
    %c0_i32_0 = arith.constant 0 : i32
    return %arg0, %c0_i32 : i32, i32
  }
  func.func @transform_2(%arg0: i32) -> (i32, i32) {
    %c0_i32 = arith.constant 0 : i32
    %c0_i32_0 = arith.constant 0 : i32
    return %arg0, %c0_i32 : i32, i32
  }
  func.func @transform_3(%arg0: i32) -> (i32, i32) {
    %c0_i32 = arith.constant 0 : i32
    %c0_i32_0 = arith.constant 0 : i32
    %c0_i32_1 = arith.constant 0 : i32
    return %c0_i32, %c0_i32_0 : i32, i32
  }
  func.func @transform_4(%arg0: i32) -> (i32, i32) {
    %c0_i32 = arith.constant 0 : i32
    %c0_i32_0 = arith.constant 0 : i32
    %c0_i32_1 = arith.constant 0 : i32
    return %c0_i32, %c0_i32_0 : i32, i32
  }
  func.func @transform_5(%arg0: i32) -> (i32, i32) {
    %c0_i32 = arith.constant 0 : i32
    %c0_i32_0 = arith.constant 0 : i32
    %c0_i32_1 = arith.constant 0 : i32
    return %c0_i32, %c0_i32_0 : i32, i32
  }
  func.func @transform_6(%arg0: i32) -> (i32, i32) {
    %c0_i32 = arith.constant 0 : i32
    %c0_i32_0 = arith.constant 0 : i32
    %c0_i32_1 = arith.constant 0 : i32
    return %c0_i32, %c0_i32_0 : i32, i32
  }
  func.func @transform_7(%arg0: i32) -> (i32, i32) {
    %c0_i32 = arith.constant 0 : i32
    %c0_i32_0 = arith.constant 0 : i32
    return %arg0, %c0_i32 : i32, i32
  }
}

module attributes {stable_mosaic.version = 14 : i64} {
  func.func @_final_body(%arg0: memref<2x10240x128xf32, #tpu.memory_space<vmem>>, %arg1: memref<10240x128xf32, #tpu.memory_space<vmem>>, %arg2: memref<10240x1xf32, #tpu.memory_space<vmem>>, %arg3: memref<1x128xf32, #tpu.memory_space<vmem>>, %arg4: memref<1x128xf32, #tpu.memory_space<vmem>>, %arg5: memref<1x128xf32, #tpu.memory_space<vmem>>, %arg6: memref<1x10240xi32, #tpu.memory_space<vmem>>, %arg7: memref<128x16xf32, #tpu.memory_space<vmem>>, %arg8: memref<1x16xf32, #tpu.memory_space<vmem>>, %arg9: memref<16x2xf32, #tpu.memory_space<vmem>>, %arg10: memref<1x2xf32, #tpu.memory_space<vmem>>, %arg11: memref<64x2xf32, #tpu.memory_space<vmem>>) attributes {dimension_semantics = [], scalar_prefetch = 0 : i64, scratch_operands = 0 : i64, tpu.core_type = #tpu.core_type<tc>} {
    %get3A = arith.constant 0 : index
    %get3A_0 = arith.constant 0 : index
    %get3A_1 = vector.load %arg2[%get3A, %get3A_0] : memref<10240x1xf32, #tpu.memory_space<vmem>>, vector<10240x1xf32>
    %add3A = arith.constant 1.000000e+00 : f32
    %add3A_2 = vector.broadcast %add3A : f32 to vector<10240x1xf32>
    %add3A_3 = arith.addf %add3A_2, %get3A_1 : vector<10240x1xf32>
    %sqrt3A = math.sqrt %add3A_3 : vector<10240x1xf32>
    %div3A = arith.constant 1.000000e+00 : f32
    %div3A_4 = vector.broadcast %div3A : f32 to vector<10240x1xf32>
    %div3A_5 = arith.divf %div3A_4, %sqrt3A : vector<10240x1xf32>
    %get3A_6 = arith.constant 0 : index
    %get3A_7 = arith.constant 0 : index
    %get3A_8 = arith.constant 0 : index
    %get3A_9 = vector.load %arg0[%get3A_6, %get3A_7, %get3A_8] : memref<2x10240x128xf32, #tpu.memory_space<vmem>>, vector<1x10240x128xf32>
    %get3A_10 = vector.shape_cast %get3A_9 : vector<1x10240x128xf32> to vector<10240x128xf32>
    %get3A_11 = arith.constant 1 : index
    %get3A_12 = arith.constant 0 : index
    %get3A_13 = arith.constant 0 : index
    %get3A_14 = vector.load %arg0[%get3A_11, %get3A_12, %get3A_13] : memref<2x10240x128xf32, #tpu.memory_space<vmem>>, vector<1x10240x128xf32>
    %get3A_15 = vector.shape_cast %get3A_14 : vector<1x10240x128xf32> to vector<10240x128xf32>
    %add3A_16 = arith.addf %get3A_10, %get3A_15 : vector<10240x128xf32>
    %get3A_17 = arith.constant 0 : index
    %get3A_18 = arith.constant 0 : index
    %get3A_19 = vector.load %arg1[%get3A_17, %get3A_18] : memref<10240x128xf32, #tpu.memory_space<vmem>>, vector<10240x128xf32>
    %add3A_20 = arith.addf %add3A_16, %get3A_19 : vector<10240x128xf32>
    %mul3A = vector.broadcast %div3A_5 : vector<10240x1xf32> to vector<10240x128xf32>
    %mul3A_21 = arith.mulf %add3A_20, %mul3A : vector<10240x128xf32>
    %get3A_22 = arith.constant 0 : index
    %get3A_23 = arith.constant 0 : index
    %get3A_24 = vector.load %arg3[%get3A_22, %get3A_23] : memref<1x128xf32, #tpu.memory_space<vmem>>, vector<1x128xf32>
    %add3A_25 = vector.broadcast %get3A_24 : vector<1x128xf32> to vector<10240x128xf32>
    %add3A_26 = arith.addf %mul3A_21, %add3A_25 : vector<10240x128xf32>
    %get3A_27 = arith.constant 0 : index
    %get3A_28 = arith.constant 0 : index
    %get3A_29 = vector.load %arg4[%get3A_27, %get3A_28] : memref<1x128xf32, #tpu.memory_space<vmem>>, vector<1x128xf32>
    %mul3A_30 = arith.constant 0.999994993 : f32
    %mul3A_31 = vector.broadcast %mul3A_30 : f32 to vector<1x128xf32>
    %mul3A_32 = arith.mulf %get3A_29, %mul3A_31 : vector<1x128xf32>
    %mul3A_33 = vector.broadcast %mul3A_32 : vector<1x128xf32> to vector<10240x128xf32>
    %mul3A_34 = arith.mulf %add3A_26, %mul3A_33 : vector<10240x128xf32>
    %get3A_35 = arith.constant 0 : index
    %get3A_36 = arith.constant 0 : index
    %get3A_37 = vector.load %arg5[%get3A_35, %get3A_36] : memref<1x128xf32, #tpu.memory_space<vmem>>, vector<1x128xf32>
    %add3A_38 = vector.broadcast %get3A_37 : vector<1x128xf32> to vector<10240x128xf32>
    %add3A_39 = arith.addf %mul3A_34, %add3A_38 : vector<10240x128xf32>
    %max3A = arith.constant 0.000000e+00 : f32
    %max3A_40 = vector.broadcast %max3A : f32 to vector<10240x128xf32>
    %max3A_41 = arith.maximumf %add3A_39, %max3A_40 : vector<10240x128xf32>
    %iota3A = tpu.iota {dimensions = array<i32: 0>} : vector<64x10240xi32>
    %get3A_42 = arith.constant 0 : index
    %get3A_43 = arith.constant 0 : index
    %get3A_44 = vector.load %arg6[%get3A_42, %get3A_43] : memref<1x10240xi32, #tpu.memory_space<vmem>>, vector<1x10240xi32>
    %eq3A = vector.broadcast %get3A_44 : vector<1x10240xi32> to vector<64x10240xi32>
    %eq3A_45 = arith.cmpi eq, %iota3A, %eq3A : vector<64x10240xi32>
    %convert_element_type3A = arith.extui %eq3A_45 : vector<64x10240xi1> to vector<64x10240xi32>
    %convert_element_type3A_46 = arith.sitofp %convert_element_type3A : vector<64x10240xi32> to vector<64x10240xf32>
    %dot_general3A = arith.constant dense<0.000000e+00> : vector<64x128xf32>
    %dot_general3A_47 = tpu.matmul %convert_element_type3A_46, %max3A_41, %dot_general3A {dimension_numbers = #tpu.dot_dimension_numbers<[1], [0], [0], [1], [0, 0, 1, 1], [], []>, precision = #tpu.contract_precision<fp32>, transpose_lhs_hint = false} : vector<64x10240xf32>, vector<10240x128xf32>, vector<64x128xf32> -> vector<64x128xf32>
    %reduce_sum3A = arith.constant dense<0.000000e+00> : vector<64xf32>
    %reduce_sum3A_48 = vector.multi_reduction <add>, %convert_element_type3A_46, %reduce_sum3A [1] : vector<64x10240xf32> to vector<64xf32>
    %broadcast_in_dim3A = vector.shape_cast %reduce_sum3A_48 : vector<64xf32> to vector<64x1xf32>
    %max3A_49 = arith.constant 1.000000e+00 : f32
    %max3A_50 = vector.broadcast %max3A_49 : f32 to vector<64x1xf32>
    %max3A_51 = arith.maximumf %broadcast_in_dim3A, %max3A_50 : vector<64x1xf32>
    %div3A_52 = vector.broadcast %max3A_51 : vector<64x1xf32> to vector<64x128xf32>
    %div3A_53 = arith.divf %dot_general3A_47, %div3A_52 : vector<64x128xf32>
    %get3A_54 = arith.constant 0 : index
    %get3A_55 = arith.constant 0 : index
    %get3A_56 = vector.load %arg7[%get3A_54, %get3A_55] : memref<128x16xf32, #tpu.memory_space<vmem>>, vector<128x16xf32>
    %dot_general3A_57 = arith.constant dense<0.000000e+00> : vector<64x16xf32>
    %dot_general3A_58 = tpu.matmul %div3A_53, %get3A_56, %dot_general3A_57 {dimension_numbers = #tpu.dot_dimension_numbers<[1], [0], [0], [1], [0, 0, 1, 1], [], []>, precision = #tpu.contract_precision<fp32>, transpose_lhs_hint = false} : vector<64x128xf32>, vector<128x16xf32>, vector<64x16xf32> -> vector<64x16xf32>
    %get3A_59 = arith.constant 0 : index
    %get3A_60 = arith.constant 0 : index
    %get3A_61 = vector.load %arg8[%get3A_59, %get3A_60] : memref<1x16xf32, #tpu.memory_space<vmem>>, vector<1x16xf32>
    %add3A_62 = vector.broadcast %get3A_61 : vector<1x16xf32> to vector<64x16xf32>
    %add3A_63 = arith.addf %dot_general3A_58, %add3A_62 : vector<64x16xf32>
    %max3A_64 = arith.constant 0.000000e+00 : f32
    %max3A_65 = vector.broadcast %max3A_64 : f32 to vector<64x16xf32>
    %max3A_66 = arith.maximumf %add3A_63, %max3A_65 : vector<64x16xf32>
    %get3A_67 = arith.constant 0 : index
    %get3A_68 = arith.constant 0 : index
    %get3A_69 = vector.load %arg9[%get3A_67, %get3A_68] : memref<16x2xf32, #tpu.memory_space<vmem>>, vector<16x2xf32>
    %dot_general3A_70 = arith.constant dense<0.000000e+00> : vector<64x2xf32>
    %dot_general3A_71 = tpu.matmul %max3A_66, %get3A_69, %dot_general3A_70 {dimension_numbers = #tpu.dot_dimension_numbers<[1], [0], [0], [1], [0, 0, 1, 1], [], []>, precision = #tpu.contract_precision<fp32>, transpose_lhs_hint = false} : vector<64x16xf32>, vector<16x2xf32>, vector<64x2xf32> -> vector<64x2xf32>
    %get3A_72 = arith.constant 0 : index
    %get3A_73 = arith.constant 0 : index
    %get3A_74 = vector.load %arg10[%get3A_72, %get3A_73] : memref<1x2xf32, #tpu.memory_space<vmem>>, vector<1x2xf32>
    %add3A_75 = vector.broadcast %get3A_74 : vector<1x2xf32> to vector<64x2xf32>
    %add3A_76 = arith.addf %dot_general3A_71, %add3A_75 : vector<64x2xf32>
    %swap3A = arith.constant 0 : index
    %swap3A_77 = arith.constant 0 : index
    %swap3A_78 = vector.load %arg11[%swap3A, %swap3A_77] : memref<64x2xf32, #tpu.memory_space<vmem>>, vector<64x2xf32>
    tpu.vector_store %arg11[%swap3A, %swap3A_77], %add3A_76 {strides = array<i32>} : memref<64x2xf32, #tpu.memory_space<vmem>>, vector<64x2xf32>,
    return
  }
}

</mosaic_0001>

<sc_bundles>
// kernel: kernel.11.cloned.1.call-start
scs
__scs_entry_jumppad:
0x0: {  	(pc) =	sbr.rel $0x88, $3  }
0x1: {  	(tag) =	ssettag $0x0;
	lr =	simm.s32 $0x1  }
0x2: {  	[smem:$0x3F92] =	sst lr;
	_ =	strace $0xD0000000  }
0x3: {  	_ = 	snop  }
0x4: {  	_ = 	snop  }
0x5: {  	_ = 	snop  }
0x6: {  	_ = 	snop  }
0x7: {  	_ = 	snop  }
__scs_overlays_trampoline_lowered:
0x8: {  	[smem:$0x3FA1] =	sst s0  }
0x9: {  	[smem:$0x3FA2] =	sst s1  }
0xa: {  	[smem:$0x3FA3] =	sst s2  }
0xb: {  	[smem:$0x3FA4] =	sst s3  }
0xc: {  	[smem:$0x3FA5] =	sst s4  }
0xd: {  	[smem:$0x3FA6] =	sst s5  }
0xe: {  	[smem:$0x3FA7] =	sst s6  }
0xf: {  	[smem:$0x3FA8] =	sst s7  }
0x10: {  	[smem:$0x3FA9] =	sst s8  }
0x11: {  	[smem:$0x3FAA] =	sst s9;
	s0 =	simm.s32 @!p0 $0x0  }
0x12: {  	s1 =	sld [smem:$0x3F90];
	s0 =	simm.s32 @p0 $0x1  }
0x13: {  	[smem:$0x3FAB] =	sst s0;
	s0 =	simm.s32 @!p1 $0x0  }
0x14: {  	s2 =	sld [smem:$0x3F8F];
	s0 =	simm.s32 @p1 $0x1  }
0x15: {  	[smem:$0x3FAC] =	sst s0;
	s0 =	simm.s32 @!p2 $0x0  }
0x16: {  	s3 =	sld [smem:$0x3FDB];
	s0 =	simm.s32 @p2 $0x1  }
0x17: {  	s4 =	simm.s32 $0x1BF5;
	[smem:$0x3FAE] =	sst s0  }
0x18: {  	s0 =	sld [smem:$0x3F91];
	_ =	swait.ge [sflag:s4], $0x0  }
0x19: {  	s7 =	sld [smem:$0x3F92]  }
0x1a: {  	s8 =	sadd.s32 $0xFFFFE003, lr  }
0x1b: {  	s9 =	sadd.s32 $0xFFFFFEF7, lr;
	s5 =	simm.s32 $0xFFFFFFFF;
	p2 =	slt.u32 s8, $0xFFFFF086  }
0x1c: {  	p1 =	slt.u32 s9, $0xF7A;
	s5 =	simm.s32 @!p2 $0x0  }
0x1d: {  	s5 =	simm.s32 @p1 $0x1;
	p0 =	seq.s32 s7, s2  }
0x1e: {  	s7 =	smul.u32 @!p0 $0xF7A, s2;
	p2 =	seq.s32 @!p0 s5, $0x0  }
0x1f: {  	s9 =	smul.u32 $0xF7A, s1;
	s8 =	simm.s32 @!p0 $0x1BF5;
	p2 =	por !p2, p0  }
0x20: {  	[sflag:s8] =	ssyncset.s32 @!p0 $0xFFFFF086;
	s6 =	sadd.s32 @!p0 s3, s7;
	s7 =	simm.s32 @!p0 $0x108  }
0x21: {  	s3 =	sadd.s32 s3, s9;
	s6 =	sadd.s32 @!p0 $0x88, s6;
	s7 =	simm.s32 @p2 $0x1082  }
0x22: {  	[simem:s7], [sflag:s8] =	dma.local @!p0 [hbm:s6], $0xF7A  }
0x23: {  	s9 =	sor.u32 $0xD0000000, s2;
	s6 =	simm.s32 $0x108;
	_ =	swait.ge @!p0 [sflag:s8], $0x0  }
0x24: {  	s3 =	sadd.s32 $0x88, s3;
	s6 =	simm.s32 @!p1 $0x1082;
	[sflag:s4] =	ssyncset.s32 $0xFFFFF086  }
0x25: {  	[simem:s6], [sflag:s4] =	dma.local [hbm:s3], $0xF7A  }
0x26: {  	[smem:$0x3F92] =	sst s1;
	(tag) =	ssettag s2;
	_ =	strace s9  }
0x27: {  	s1 =	sld [smem:$0x3FA2]  }
0x28: {  	s2 =	sld [smem:$0x3FA3]  }
0x29: {  	s4 =	sld [smem:$0x3FA5]  }
0x2a: {  	p0 =	seq.s32 s5, $0x0;
	s5 =	sld [smem:$0x3FA6]  }
0x2b: {  	s6 =	sld [smem:$0x3FA7]  }
0x2c: {  	s7 =	sld [smem:$0x3FA8]  }
0x2d: {  	s3 =	simm.s32 $0x108;
	s8 =	sld [smem:$0x3FA9]  }
0x2e: {  	s3 =	simm.s32 @!p0 $0x1082;
	s9 =	sld [smem:$0x3FAA]  }
0x2f: {  	lr =	sadd.s32 s0, s3;
	s0 =	sld [smem:$0x3FA1]  }
0x30: {  	s3 =	sld [smem:$0x3FA4]  }
0x31: {  	[smem:$0x3FAD] =	sst s10  }
0x32: {  	s10 =	sld [smem:$0x3FAB];
	_ =	sdelay $0x3  }
0x33: {  	p0 =	seq.s32 s10, $0x1;
	s10 =	sld [smem:$0x3FAD];
	_ =	sdelay $0x3  }
0x34: {  	[smem:$0x3FAD] =	sst s10  }
0x35: {  	s10 =	sld [smem:$0x3FAC];
	_ =	sdelay $0x3  }
0x36: {  	p1 =	seq.s32 s10, $0x1;
	s10 =	sld [smem:$0x3FAD];
	_ =	sdelay $0x3  }
0x37: {  	[smem:$0x3FAD] =	sst s10  }
0x38: {  	s10 =	sld [smem:$0x3FAE]  }
0x39: {  	_ = 	snop;
	(pc) =	sbr.ind lr, $3  }
0x3a: {  	_ = 	snop  }
0x3b: {  	_ = 	snop  }
0x3c: {  	p2 =	seq.s32 s10, $0x1;
	s10 =	sld [smem:$0x3FAD]  }
0x3d: {  	_ =	shalt  }
0x3e: {  	_ =	shalt  }
0x3f: {  	_ =	shalt  }
0x40: {  	_ =	shalt  }
0x41: {  	_ =	shalt  }
0x42: {  	_ =	shalt  }
0x43: {  	_ =	shalt  }
0x44: {  	_ =	shalt  }
0x45: {  	_ =	shalt  }
0x46: {  	_ =	shalt  }
0x47: {  	_ =	shalt  }
0x48: {  	_ =	shalt  }
0x49: {  	_ =	shalt  }
0x4a: {  	_ =	shalt  }
0x4b: {  	_ =	shalt  }
0x4c: {  	_ =	shalt  }
0x4d: {  	_ =	shalt  }
0x4e: {  	_ =	shalt  }
0x4f: {  	_ =	shalt  }
0x50: {  	_ =	shalt  }
0x51: {  	_ =	shalt  }
0x52: {  	_ =	shalt  }
0x53: {  	_ =	shalt  }
0x54: {  	_ =	shalt  }
0x55: {  	_ =	shalt  }
0x56: {  	_ =	shalt  }
0x57: {  	_ =	shalt  }
0x58: {  	_ =	shalt  }
0x59: {  	_ =	shalt  }
0x5a: {  	_ =	shalt  }
0x5b: {  	_ =	shalt  }
0x5c: {  	_ =	shalt  }
0x5d: {  	_ =	shalt  }
0x5e: {  	_ =	shalt  }
0x5f: {  	_ =	shalt  }
0x60: {  	_ =	shalt  }
0x61: {  	_ =	shalt  }
0x62: {  	_ =	shalt  }
0x63: {  	_ =	shalt  }
0x64: {  	_ =	shalt  }
0x65: {  	_ =	shalt  }
0x66: {  	_ =	shalt  }
0x67: {  	_ =	shalt  }
0x68: {  	_ =	shalt  }
0x69: {  	_ =	shalt  }
0x6a: {  	_ =	shalt  }
0x6b: {  	_ =	shalt  }
0x6c: {  	_ =	shalt  }
0x6d: {  	_ =	shalt  }
0x6e: {  	_ =	shalt  }
0x6f: {  	_ =	shalt  }
0x70: {  	_ =	shalt  }
0x71: {  	_ =	shalt  }
0x72: {  	_ =	shalt  }
0x73: {  	_ =	shalt  }
0x74: {  	_ =	shalt  }
0x75: {  	_ =	shalt  }
0x76: {  	_ =	shalt  }
0x77: {  	_ =	shalt  }
0x78: {  	_ =	shalt  }
0x79: {  	_ =	shalt  }
0x7a: {  	_ =	shalt  }
0x7b: {  	_ =	shalt  }
0x7c: {  	_ =	shalt  }
0x7d: {  	_ =	shalt  }
0x7e: {  	_ =	shalt  }
0x7f: {  	_ =	shalt  }
0x80: {  	_ =	shalt  }
0x81: {  	_ =	shalt  }
0x82: {  	_ =	shalt  }
0x83: {  	_ =	shalt  }
0x84: {  	_ =	shalt  }
0x85: {  	_ =	shalt  }
0x86: {  	_ =	shalt  }
0x87: {  	_ =	shalt  }
.Lfunc_end0:
.L_simem_size_0:
called_computation.1_lowered:
.L_overlay_start_0:
0x88: {  	s2 =	sld [smem:$0x3FD9]  }
0x89: {  	s3 =	sld [smem:$0x3FFE];
	_ =	sdelay $0x1  }
0x8a: {  	s1 =	srdreg.scid  }
0x8b: {  	s0 =	sand.u32 $0x1, s1  }
0x8c: {  	s16 =	sshll.u32 s0, $0xA;
	s2 =	sadd.s32 s3, s2  }
0x8d: {  	s2 =	sadd.s32 s2, s16  }
0x8e: {  	[smem:$0x3FB9] =	sst s2  }
0x8f: {  	_ = 	snop  }
0x90: {  	(tm) =	ssettm $0x1  }
0x91: {  	s17 =	sld [smem:$0x3FFB];
	_ =	sdelay $0x3  }
0x92: {  	_ =	strace s17  }
0x93: {  	s2 =	sld [smem:$0x3FFC];
	_ =	sdelay $0x3  }
0x94: {  	_ =	strace s2  }
0x95: {  	s2 =	sld [smem:$0x3FFD];
	_ =	sdelay $0x3  }
0x96: {  	_ =	strace s2  }
0x97: {  	_ =	strace $0x8FFFFFFF  }
0x98: {  	s18 =	sld [smem:$0x3FDB];
	_ =	sdelay $0x1  }
0x99: {  	s19 =	simm.s32 $_scs_section_size  }
0x9a: {  	s4 =	simm.s32 $_size__tile_overlayer_lowered;
	s5 =	simm.s32 $_tile_overlayer_lowered  }
0x9b: {  	s22 =	simm.s32 $0x1BFF;
	s21 =	sshll.u32 s5, $0x1;
	s2 =	sadd.s32 s19, s18  }
0x9c: {  	s6 =	simm.s32 $0x0;
	s20 =	sshll.u32 s4, $0x1;
	s4 =	sadd.s32 s21, s2  }
0x9d: {  	[timem:s6], [sflag:s22] =	dma.local [hbm:s4], s20  }
0x9e: {  	_ =	swait.ge [sflag:s22], s20  }
0x9f: {  	s3 =	ssub.s32 $0x0, s20;
	[sflag:s22] =	ssyncset.done $0x0  }
0xa0: {  	[sflag:s22] =	ssyncadd.s32 s3;
	_ =	sdelay $0x1  }
0xa1: {  	s23 =	simm.s32 $0x1B8B  }
0xa2: {  	_ =	swait.ge [sflag:s23], $0x1  }
0xa3: {  	[sflag:s23] =	ssyncset.done $0x0  }
0xa4: {  	s25 =	simm.s32 $0x1B8E;
	s24 =	sld [smem:$0x3FFE];
	[sflag:s23] =	ssyncadd.s32 $0xFFFFFFFF  }
0xa5: {  	s26 =	simm.s32 $execute0_lowered;
	[smem:$0x3FD2] =	sst s25  }
0xa6: {  	s4 =	sshll.u32 s26, $0x1;
	_ =	strace $0x80000049;
	[dreg:$0x1] =	wrdreg $0xFFFFFFFF  }
0xa7: {  	s28 =	simm.s32 $_size_execute0_lowered;
	s2 =	sadd.s32 s2, s4;
	[dreg:$0x0] =	wrdreg $0x0  }
0xa8: {  	s4 =	sshll.u32 s28, $0x1;
	[dreg:$0x2] =	wrdreg s2  }
0xa9: {  	[dreg:$0x3] =	wrdreg s4  }
0xaa: {  	[dreg:$0x4] =	wrdreg $0xC0  }
0xab: {  	_ =	task [dreg:s6], $0x5FFFF  }
0xac: {  	[dreg:$0x1] =	wrdreg $0xFFFFFFFF  }
0xad: {  	[dreg:$0x0] =	wrdreg $0x60  }
0xae: {  	[dreg:$0x2] =	wrdreg s24  }
0xaf: {  	[dreg:$0x3] =	wrdreg $0x0  }
0xb0: {  	[dreg:$0x4] =	wrdreg $0x9  }
0xb1: {  	_ =	task.clear_ibuf [dreg:s6], $0x5FFFF;
	_ =	strace $0x90000049  }
0xb2: {  	s29 =	simm.s32 $0x9;
	_ =	strace $0x8000004B  }
0xb3: {  	_ =	swait.ge [sflag:s29], $0x1  }
0xb4: {  	[sflag:s29] =	ssyncadd.s32 $0xFFFFFFFF  }
0xb5: {  	_ =	strace $0x9000004B  }
0xb6: {  	_ =	sfence  }
0xb7: {  	s30 =	sld [smem:$0x0];
	_ =	sdelay $0x2  }
0xb8: {  	s31 =	sshll.u32 s1, $0xD;
	s1 =	sshrl.u32 s1, $0x2  }
0xb9: {  	s3 =	sand.u32 $0x4000, s31;
	s1 =	sadd.s32 s1, s30  }
0xba: {  	s0 =	sor.u32 s3, s0;
	s1 =	sshll.u32 s1, $0x11  }
0xbb: {  	s0 =	sor.u32 s1, s0  }
0xbc: {  	s0 =	sadd.s32 $0x8F2B, s0  }
0xbd: {  	[sflag:s0] =	ssyncadd.remote.s32 $0x1  }
0xbe: {  	_ =	sfence.sel $0xFFFF  }
0xbf: {  	[dreg:$0x0] =	wrdreg $0xFFFFFFFF;
	(pc) =	sbr.abs _section_cstart, $3  }
0xc0: {  	[dreg:$0x1] =	wrdreg $0xFFFFFFFF  }
0xc1: {  	_ =	task.clear_ibuf [dreg:s6], $0x2FFFF;
	_ =	strace $0x9FFFFFFF  }
0xc2: {  	(tm) =	ssettm $0x7FFFFFFF  }
0xc3: {  	_ =	shalt  }
tec
execute0_lowered:
.L_overlay_start_1:
0x0: {  	(tag) =	ssettag $0x1  }
0x1: {  	s6 =	rddreg [dreg:$0x0];
	s0 =	srdreg.scid  }
0x2: {  	s2 =	rddreg [dreg:$0x1];
	s1 =	stileid.u32  }
0x3: {  	s3 =	simm.s32 $0x0;
	s14 =	simm.s32 $0x15400;
	s15 =	simm.s32 $0x80  }
0x4: {  	s16 =	simm.s32 $0x16800;
	s17 =	simm.s32 $0x1;
	s18 =	simm.s32 $0x0  }
0x5: {  	s7 =	sand.u32 $0x1, s0;
	s0 =	rddreg [dreg:$0x2];
	s8 =	smul.u32 $0x14000, s1  }
0x6: {  	s4 =	sshll.u32 s1, $0x1;
	[smem:$0x7FF] =	sst s3;
	s10 =	smul.u32 $0x50000, s1  }
0x7: {  	s11 =	sshll.u32 s1, $0x6;
	s5 =	smul.u32 $0x140000, s7;
	s4 =	sor.u32 s7, s4  }
0x8: {  	_ =	strace $0x8000004A;
	s31 =	ssub.s32 $0x2, s7;
	s9 =	smul.u32 $0x280, s4  }
0x9: {  	s4 =	sadd.s32 $0xCA00, s6;
	s7 =	sshrl.u32 s31, $0x1;
	s10 =	sshrl.u32 s10, $0x2  }
0xa: {  	s5 =	sadd.s32 s8, s5;
	s12 =	ssub.s32 s31, s7;
	s13 =	sadd.s32 s10, s2  }
0xb: {  	s29 =	sadd.s32 s9, s6;
	s30 =	sshrl.u32 s5, $0x3;
	s5 =	sadd.s32 $0x34A00, s6  }
0xc: {  	s10 =	smax.u32 s12, $0x1;
	s12 =	simm.s32 $0x2;
	s9 =	sadd.s32 s30, s6  }
0xd: {  	s6 =	sor.u32 $0x1C02, s11;
	s7 =	sadd.s32 $0x7A00, s29;
	s8 =	sadd.s32 $0x2A00, s29  }
0xe: {  	s11 =	sshrl.u32 s13, $0x3;
	s13 =	simm.s32 $0x14000;
	s9 =	sadd.s32 $0x37200, s9  }
.LBB2_1:
0xf: {  	[spmem:s11], [sflag:s6] =	dma.local [hbm:s5], $0x2800  }
0x10: {  	_ =	swait.ge [sflag:s12], $0x2800  }
0x11: {  	[sflag:s12] =	ssyncset.done $0x0  }
0x12: {  	[sflag:s12] =	ssyncadd.s32 $0xFFFFD800  }
0x13: {  	[tilespmem:s13], [sflag:$0x2] =	stream.linear.gather [hbm4b:s7+s3], $0x1400, $0x38;
	[tilespmem:$0x1A800] =	vst v63  }
0x14: {  	_ =	swait.ge [sflag:s12], $0x1400  }
0x15: {  	[sflag:s12] =	ssyncset.done $0x0  }
0x16: {  	[sflag:s12] =	ssyncadd.s32 $0xFFFFEC00  }
0x17: {  	[tilespmem:s14], [sflag:$0x2] =	stream.linear.gather [hbm4b:s8+s3], $0x1400, $0x38;
	[tilespmem:$0x1A800] =	vst v63  }
0x18: {  	_ =	swait.ge [sflag:s12], $0x1400  }
0x19: {  	[sflag:s12] =	ssyncset.done $0x0  }
0x1a: {  	[sflag:s12] =	ssyncadd.s32 $0xFFFFEC00  }
0x1b: {  	s19 =	simm.s32 $0x14000;
	[bflag:$0x0] =	sbarrier.arrive $0xFFFF  }
0x1c: {  	[tilespmem:s16], [sflag:$0x1] =	stream.indirect.gather [hbm4b:s4+s15], $0x80, s19, s15, $0xb8;
	[tilespmem:$0x1A800] =	vst v63  }
0x1d: {  	_ =	swait.ge [sflag:s17], $0x4000  }
0x1e: {  	[sflag:s17] =	ssyncset.done $0x0  }
0x1f: {  	s31 =	simm.s32 $0x15400;
	[sflag:s17] =	ssyncadd.s32 $0xFFFFC000  }
0x20: {  	[spmem:s2] =	stream.indirect.scatter.add.f32 [tilespmem:s16], [sflag:$0x2], $0x80, s31, s15, $0xb8;
	[tilespmem:$0x1A800] =	vst v63  }
0x21: {  	_ =	swait.ge [sflag:s12], $0x4000  }
0x22: {  	s20 =	simm.s32 $0x400;
	s19 =	simm.s32 $0x80;
	[sflag:s12] =	ssyncset.done $0x0  }
.LBB2_2:
0x23: {  	s21 =	sadd.s32 $0x14000, s19  }
0x24: {  	[sflag:s12] =	ssyncadd.s32 $0xFFFFC000;
	s22 =	smov.u32 s20;
	s23 =	sadd.s32 $0x200, s20  }
0x25: {  	[tilespmem:s16], [sflag:$0x1] =	stream.indirect.gather [hbm4b:s4+s15], $0x80, s21, s15, $0xb8;
	[tilespmem:$0x1A800] =	vst v63  }
0x26: {  	p0 =	sne.s32 s20, $0x4E00;
	_ =	swait.ge [sflag:s17], $0x4000  }
.Ltmp0:
0x27: {  	[sflag:s17] =	ssyncset.done $0x0;
	(pc) =	sbr.rel @p0 .LBB2_2-.Ltmp0, $4  }
0x28: {  	s19 =	sadd.s32 $0x15400, s19;
	[sflag:s17] =	ssyncadd.s32 $0xFFFFC000  }
0x29: {  	[spmem:s2] =	stream.indirect.scatter.add.f32 [tilespmem:s16], [sflag:$0x2], $0x80, s19, s15, $0xb8;
	[tilespmem:$0x1A800] =	vst v63  }
0x2a: {  	_ =	swait.ge [sflag:s12], $0x4000  }
0x2b: {  	s20 =	smov.u32 s23;
	s19 =	sshra.s32 s22, $0x2;
	[sflag:s12] =	ssyncset.done $0x0  }
0x2c: {  	s20 =	sadd.s32 $0x14000, s19;
	[sflag:s12] =	ssyncadd.s32 $0xFFFFC000  }
0x2d: {  	[tilespmem:s16], [sflag:$0x1] =	stream.indirect.gather [hbm4b:s4+s15], $0x80, s20, s15, $0xb8;
	[tilespmem:$0x1A800] =	vst v63  }
0x2e: {  	_ =	swait.ge [sflag:s17], $0x4000  }
0x2f: {  	[sflag:s17] =	ssyncset.done $0x0  }
0x30: {  	s31 =	sadd.s32 $0x15400, s19;
	[sflag:s17] =	ssyncadd.s32 $0xFFFFC000  }
0x31: {  	[spmem:s2] =	stream.indirect.scatter.add.f32 [tilespmem:s16], [sflag:$0x2], $0x80, s31, s15, $0xb8;
	[tilespmem:$0x1A800] =	vst v63  }
0x32: {  	_ =	swait.ge [sflag:s12], $0x4000  }
0x33: {  	s18 =	sadd.s32 $0x1, s18;
	[sflag:s12] =	ssyncset.done $0x0  }
0x34: {  	p0 =	sne.s32 s18, s10;
	[sflag:s12] =	ssyncadd.s32 $0xFFFFC000  }
.Ltmp1:
0x35: {  	[bflag:$0x0] =	sbarrier.arrive $0xFFFF;
	(pc) =	sbr.rel @p0 .LBB2_1-.Ltmp1, $4  }
0x36: {  	[hbm:s9], [sflag:s6] =	dma.local [spmem:s11], $0x2800  }
0x37: {  	_ =	swait.ge [sflag:s12], $0x2800  }
0x38: {  	[sflag:s12] =	ssyncset.done $0x0  }
0x39: {  	[sflag:s12] =	ssyncadd.s32 $0xFFFFD800  }
0x3a: {  	_ =	sfence.sel $0x180000  }
0x3b: {  	[bflag:$0x0] =	sbarrier.arrive $0xFFFF  }
0x3c: {  	p0 =	sne.s32 s1, $0x0;
	_ =	strace $0x9000004A  }
0x3d: {  	s0 =	sadd.s32 @!p0 $0x100000, s0;
	[bflag:$0x2] =	sbarrier.arrive $0xFFFF  }
0x3e: {  	[sflag:s0] =	ssyncadd.tile.s32 @!p0 $0x1;
	_ =	shalt  }
.Lfunc_end2:
_tile_overlayer_lowered:
.L_overlay_start_2:
0x3f: {  	(tag) =	ssettag $0x2  }
0x40: {  	s0 =	rddreg [dreg:$0x0];
	s2 =	stileid.u32  }
0x41: {  	s1 =	rddreg [dreg:$0x1];
	p0 =	sne.s32 s2, $0x0  }
0x42: {  	s3 =	rddreg [dreg:$0x2];
	[bflag:$0x3] =	sbarrier.arrive $0xFFFF;
	s2 =	simm.s32 @!p0 $0x1C02  }
0x43: {  	[timem:s3], [sflag:s2] =	dma.local @!p0 [hbm:s0], s1  }
0x44: {  	s0 =	simm.s32 @!p0 $0x2  }
0x45: {  	_ =	swait.ge @!p0 [sflag:s0], s1  }
0x46: {  	s1 =	ssub.s32 @!p0 $0x0, s1;
	[sflag:s0] =	ssyncset.done @!p0 $0x0  }
0x47: {  	[sflag:s0] =	ssyncadd.s32 @!p0 s1  }
0x48: {  	[bflag:$0x3] =	sbarrier.arrive $0xFFFF  }
0x49: {  	_ =	shalt  }

// kernel: kernel.14.cloned.1.call-start
scs
__scs_entry_jumppad:
0x0: {  	(pc) =	sbr.rel $0x88, $3  }
0x1: {  	(tag) =	ssettag $0x0;
	lr =	simm.s32 $0x1  }
0x2: {  	[smem:$0x3F92] =	sst lr;
	_ =	strace $0xD0000000  }
0x3: {  	_ = 	snop  }
0x4: {  	_ = 	snop  }
0x5: {  	_ = 	snop  }
0x6: {  	_ = 	snop  }
0x7: {  	_ = 	snop  }
__scs_overlays_trampoline_lowered:
0x8: {  	[smem:$0x3FA1] =	sst s0  }
0x9: {  	[smem:$0x3FA2] =	sst s1  }
0xa: {  	[smem:$0x3FA3] =	sst s2  }
0xb: {  	[smem:$0x3FA4] =	sst s3  }
0xc: {  	[smem:$0x3FA5] =	sst s4  }
0xd: {  	[smem:$0x3FA6] =	sst s5  }
0xe: {  	[smem:$0x3FA7] =	sst s6  }
0xf: {  	[smem:$0x3FA8] =	sst s7  }
0x10: {  	[smem:$0x3FA9] =	sst s8  }
0x11: {  	[smem:$0x3FAA] =	sst s9;
	s0 =	simm.s32 @!p0 $0x0  }
0x12: {  	s1 =	sld [smem:$0x3F90];
	s0 =	simm.s32 @p0 $0x1  }
0x13: {  	[smem:$0x3FAB] =	sst s0;
	s0 =	simm.s32 @!p1 $0x0  }
0x14: {  	s2 =	sld [smem:$0x3F8F];
	s0 =	simm.s32 @p1 $0x1  }
0x15: {  	[smem:$0x3FAC] =	sst s0;
	s0 =	simm.s32 @!p2 $0x0  }
0x16: {  	s3 =	sld [smem:$0x3FDB];
	s0 =	simm.s32 @p2 $0x1  }
0x17: {  	s4 =	simm.s32 $0x1BF5;
	[smem:$0x3FAE] =	sst s0  }
0x18: {  	s0 =	sld [smem:$0x3F91];
	_ =	swait.ge [sflag:s4], $0x0  }
0x19: {  	s7 =	sld [smem:$0x3F92]  }
0x1a: {  	s8 =	sadd.s32 $0xFFFFE003, lr  }
0x1b: {  	s9 =	sadd.s32 $0xFFFFFEF7, lr;
	s5 =	simm.s32 $0xFFFFFFFF;
	p2 =	slt.u32 s8, $0xFFFFF086  }
0x1c: {  	p1 =	slt.u32 s9, $0xF7A;
	s5 =	simm.s32 @!p2 $0x0  }
0x1d: {  	s5 =	simm.s32 @p1 $0x1;
	p0 =	seq.s32 s7, s2  }
0x1e: {  	s7 =	smul.u32 @!p0 $0xF7A, s2;
	p2 =	seq.s32 @!p0 s5, $0x0  }
0x1f: {  	s9 =	smul.u32 $0xF7A, s1;
	s8 =	simm.s32 @!p0 $0x1BF5;
	p2 =	por !p2, p0  }
0x20: {  	[sflag:s8] =	ssyncset.s32 @!p0 $0xFFFFF086;
	s6 =	sadd.s32 @!p0 s3, s7;
	s7 =	simm.s32 @!p0 $0x108  }
0x21: {  	s3 =	sadd.s32 s3, s9;
	s6 =	sadd.s32 @!p0 $0x88, s6;
	s7 =	simm.s32 @p2 $0x1082  }
0x22: {  	[simem:s7], [sflag:s8] =	dma.local @!p0 [hbm:s6], $0xF7A  }
0x23: {  	s9 =	sor.u32 $0xD0000000, s2;
	s6 =	simm.s32 $0x108;
	_ =	swait.ge @!p0 [sflag:s8], $0x0  }
0x24: {  	s3 =	sadd.s32 $0x88, s3;
	s6 =	simm.s32 @!p1 $0x1082;
	[sflag:s4] =	ssyncset.s32 $0xFFFFF086  }
0x25: {  	[simem:s6], [sflag:s4] =	dma.local [hbm:s3], $0xF7A  }
0x26: {  	[smem:$0x3F92] =	sst s1;
	(tag) =	ssettag s2;
	_ =	strace s9  }
0x27: {  	s1 =	sld [smem:$0x3FA2]  }
0x28: {  	s2 =	sld [smem:$0x3FA3]  }
0x29: {  	s4 =	sld [smem:$0x3FA5]  }
0x2a: {  	p0 =	seq.s32 s5, $0x0;
	s5 =	sld [smem:$0x3FA6]  }
0x2b: {  	s6 =	sld [smem:$0x3FA7]  }
0x2c: {  	s7 =	sld [smem:$0x3FA8]  }
0x2d: {  	s3 =	simm.s32 $0x108;
	s8 =	sld [smem:$0x3FA9]  }
0x2e: {  	s3 =	simm.s32 @!p0 $0x1082;
	s9 =	sld [smem:$0x3FAA]  }
0x2f: {  	lr =	sadd.s32 s0, s3;
	s0 =	sld [smem:$0x3FA1]  }
0x30: {  	s3 =	sld [smem:$0x3FA4]  }
0x31: {  	[smem:$0x3FAD] =	sst s10  }
0x32: {  	s10 =	sld [smem:$0x3FAB];
	_ =	sdelay $0x3  }
0x33: {  	p0 =	seq.s32 s10, $0x1;
	s10 =	sld [smem:$0x3FAD];
	_ =	sdelay $0x3  }
0x34: {  	[smem:$0x3FAD] =	sst s10  }
0x35: {  	s10 =	sld [smem:$0x3FAC];
	_ =	sdelay $0x3  }
0x36: {  	p1 =	seq.s32 s10, $0x1;
	s10 =	sld [smem:$0x3FAD];
	_ =	sdelay $0x3  }
0x37: {  	[smem:$0x3FAD] =	sst s10  }
0x38: {  	s10 =	sld [smem:$0x3FAE]  }
0x39: {  	_ = 	snop;
	(pc) =	sbr.ind lr, $3  }
0x3a: {  	_ = 	snop  }
0x3b: {  	_ = 	snop  }
0x3c: {  	p2 =	seq.s32 s10, $0x1;
	s10 =	sld [smem:$0x3FAD]  }
0x3d: {  	_ =	shalt  }
0x3e: {  	_ =	shalt  }
0x3f: {  	_ =	shalt  }
0x40: {  	_ =	shalt  }
0x41: {  	_ =	shalt  }
0x42: {  	_ =	shalt  }
0x43: {  	_ =	shalt  }
0x44: {  	_ =	shalt  }
0x45: {  	_ =	shalt  }
0x46: {  	_ =	shalt  }
0x47: {  	_ =	shalt  }
0x48: {  	_ =	shalt  }
0x49: {  	_ =	shalt  }
0x4a: {  	_ =	shalt  }
0x4b: {  	_ =	shalt  }
0x4c: {  	_ =	shalt  }
0x4d: {  	_ =	shalt  }
0x4e: {  	_ =	shalt  }
0x4f: {  	_ =	shalt  }
0x50: {  	_ =	shalt  }
0x51: {  	_ =	shalt  }
0x52: {  	_ =	shalt  }
0x53: {  	_ =	shalt  }
0x54: {  	_ =	shalt  }
0x55: {  	_ =	shalt  }
0x56: {  	_ =	shalt  }
0x57: {  	_ =	shalt  }
0x58: {  	_ =	shalt  }
0x59: {  	_ =	shalt  }
0x5a: {  	_ =	shalt  }
0x5b: {  	_ =	shalt  }
0x5c: {  	_ =	shalt  }
0x5d: {  	_ =	shalt  }
0x5e: {  	_ =	shalt  }
0x5f: {  	_ =	shalt  }
0x60: {  	_ =	shalt  }
0x61: {  	_ =	shalt  }
0x62: {  	_ =	shalt  }
0x63: {  	_ =	shalt  }
0x64: {  	_ =	shalt  }
0x65: {  	_ =	shalt  }
0x66: {  	_ =	shalt  }
0x67: {  	_ =	shalt  }
0x68: {  	_ =	shalt  }
0x69: {  	_ =	shalt  }
0x6a: {  	_ =	shalt  }
0x6b: {  	_ =	shalt  }
0x6c: {  	_ =	shalt  }
0x6d: {  	_ =	shalt  }
0x6e: {  	_ =	shalt  }
0x6f: {  	_ =	shalt  }
0x70: {  	_ =	shalt  }
0x71: {  	_ =	shalt  }
0x72: {  	_ =	shalt  }
0x73: {  	_ =	shalt  }
0x74: {  	_ =	shalt  }
0x75: {  	_ =	shalt  }
0x76: {  	_ =	shalt  }
0x77: {  	_ =	shalt  }
0x78: {  	_ =	shalt  }
0x79: {  	_ =	shalt  }
0x7a: {  	_ =	shalt  }
0x7b: {  	_ =	shalt  }
0x7c: {  	_ =	shalt  }
0x7d: {  	_ =	shalt  }
0x7e: {  	_ =	shalt  }
0x7f: {  	_ =	shalt  }
0x80: {  	_ =	shalt  }
0x81: {  	_ =	shalt  }
0x82: {  	_ =	shalt  }
0x83: {  	_ =	shalt  }
0x84: {  	_ =	shalt  }
0x85: {  	_ =	shalt  }
0x86: {  	_ =	shalt  }
0x87: {  	_ =	shalt  }
.Lfunc_end0:
.L_simem_size_0:
called_computation.2_lowered:
.L_overlay_start_0:
0x88: {  	s2 =	sld [smem:$0x3FD9]  }
0x89: {  	s3 =	sld [smem:$0x3FFE];
	_ =	sdelay $0x1  }
0x8a: {  	s1 =	srdreg.scid  }
0x8b: {  	s0 =	sand.u32 $0x1, s1  }
0x8c: {  	s16 =	sshll.u32 s0, $0xA;
	s2 =	sadd.s32 s3, s2  }
0x8d: {  	s2 =	sadd.s32 s2, s16  }
0x8e: {  	[smem:$0x3FB9] =	sst s2  }
0x8f: {  	_ = 	snop  }
0x90: {  	(tm) =	ssettm $0x1  }
0x91: {  	s17 =	sld [smem:$0x3FFB];
	_ =	sdelay $0x3  }
0x92: {  	_ =	strace s17  }
0x93: {  	s2 =	sld [smem:$0x3FFC];
	_ =	sdelay $0x3  }
0x94: {  	_ =	strace s2  }
0x95: {  	s2 =	sld [smem:$0x3FFD];
	_ =	sdelay $0x3  }
0x96: {  	_ =	strace s2  }
0x97: {  	_ =	strace $0x8FFFFFFF  }
0x98: {  	s18 =	sld [smem:$0x3FDB];
	_ =	sdelay $0x1  }
0x99: {  	s19 =	simm.s32 $_scs_section_size  }
0x9a: {  	s4 =	simm.s32 $_size__tile_overlayer_lowered;
	s5 =	simm.s32 $_tile_overlayer_lowered  }
0x9b: {  	s22 =	simm.s32 $0x1BFF;
	s21 =	sshll.u32 s5, $0x1;
	s2 =	sadd.s32 s19, s18  }
0x9c: {  	s6 =	simm.s32 $0x0;
	s20 =	sshll.u32 s4, $0x1;
	s4 =	sadd.s32 s21, s2  }
0x9d: {  	[timem:s6], [sflag:s22] =	dma.local [hbm:s4], s20  }
0x9e: {  	_ =	swait.ge [sflag:s22], s20  }
0x9f: {  	s3 =	ssub.s32 $0x0, s20;
	[sflag:s22] =	ssyncset.done $0x0  }
0xa0: {  	[sflag:s22] =	ssyncadd.s32 s3;
	_ =	sdelay $0x1  }
0xa1: {  	s23 =	simm.s32 $0x1B8B  }
0xa2: {  	_ =	swait.ge [sflag:s23], $0x1  }
0xa3: {  	[sflag:s23] =	ssyncset.done $0x0  }
0xa4: {  	s25 =	simm.s32 $0x1B8E;
	s24 =	sld [smem:$0x3FFE];
	[sflag:s23] =	ssyncadd.s32 $0xFFFFFFFF  }
0xa5: {  	s26 =	simm.s32 $execute0_lowered;
	[smem:$0x3FD2] =	sst s25  }
0xa6: {  	s4 =	sshll.u32 s26, $0x1;
	_ =	strace $0x8000004C;
	[dreg:$0x1] =	wrdreg $0xFFFFFFFF  }
0xa7: {  	s28 =	simm.s32 $_size_execute0_lowered;
	s2 =	sadd.s32 s2, s4;
	[dreg:$0x0] =	wrdreg $0x0  }
0xa8: {  	s4 =	sshll.u32 s28, $0x1;
	[dreg:$0x2] =	wrdreg s2  }
0xa9: {  	[dreg:$0x3] =	wrdreg s4  }
0xaa: {  	[dreg:$0x4] =	wrdreg $0xC0  }
0xab: {  	_ =	task [dreg:s6], $0x5FFFF  }
0xac: {  	[dreg:$0x1] =	wrdreg $0xFFFFFFFF  }
0xad: {  	[dreg:$0x0] =	wrdreg $0x60  }
0xae: {  	[dreg:$0x2] =	wrdreg s24  }
0xaf: {  	[dreg:$0x3] =	wrdreg $0x0  }
0xb0: {  	[dreg:$0x4] =	wrdreg $0x9  }
0xb1: {  	_ =	task.clear_ibuf [dreg:s6], $0x5FFFF;
	_ =	strace $0x9000004C  }
0xb2: {  	s29 =	simm.s32 $0x9;
	_ =	strace $0x8000004E  }
0xb3: {  	_ =	swait.ge [sflag:s29], $0x1  }
0xb4: {  	[sflag:s29] =	ssyncadd.s32 $0xFFFFFFFF  }
0xb5: {  	_ =	strace $0x9000004E  }
0xb6: {  	_ =	sfence  }
0xb7: {  	s30 =	sld [smem:$0x0];
	_ =	sdelay $0x2  }
0xb8: {  	s31 =	sshll.u32 s1, $0xD;
	s1 =	sshrl.u32 s1, $0x2  }
0xb9: {  	s3 =	sand.u32 $0x4000, s31;
	s1 =	sadd.s32 s1, s30  }
0xba: {  	s0 =	sor.u32 s3, s0;
	s1 =	sshll.u32 s1, $0x11  }
0xbb: {  	s0 =	sor.u32 s1, s0  }
0xbc: {  	s0 =	sadd.s32 $0x8F2B, s0  }
0xbd: {  	[sflag:s0] =	ssyncadd.remote.s32 $0x1  }
0xbe: {  	_ =	sfence.sel $0xFFFF  }
0xbf: {  	[dreg:$0x0] =	wrdreg $0xFFFFFFFF;
	(pc) =	sbr.abs _section_cstart, $3  }
0xc0: {  	[dreg:$0x1] =	wrdreg $0xFFFFFFFF  }
0xc1: {  	_ =	task.clear_ibuf [dreg:s6], $0x2FFFF;
	_ =	strace $0x9FFFFFFF  }
0xc2: {  	(tm) =	ssettm $0x7FFFFFFF  }
0xc3: {  	_ =	shalt  }
tec
execute0_lowered:
.L_overlay_start_1:
0x0: {  	(tag) =	ssettag $0x1  }
0x1: {  	s6 =	rddreg [dreg:$0x0];
	s0 =	srdreg.scid  }
0x2: {  	s2 =	rddreg [dreg:$0x1];
	s1 =	stileid.u32  }
0x3: {  	s3 =	simm.s32 $0x0;
	s14 =	simm.s32 $0x15400;
	s15 =	simm.s32 $0x80  }
0x4: {  	s16 =	simm.s32 $0x16800;
	s17 =	simm.s32 $0x1;
	s18 =	simm.s32 $0x0  }
0x5: {  	s7 =	sand.u32 $0x1, s0;
	s0 =	rddreg [dreg:$0x2];
	s8 =	smul.u32 $0x14000, s1  }
0x6: {  	s4 =	sshll.u32 s1, $0x1;
	[smem:$0x7FF] =	sst s3;
	s10 =	smul.u32 $0x50000, s1  }
0x7: {  	s11 =	sshll.u32 s1, $0x6;
	s5 =	smul.u32 $0x140000, s7;
	s4 =	sor.u32 s7, s4  }
0x8: {  	_ =	strace $0x8000004D;
	s31 =	ssub.s32 $0x2, s7;
	s9 =	smul.u32 $0x280, s4  }
0x9: {  	s4 =	sadd.s32 $0xCA00, s6;
	s7 =	sshrl.u32 s31, $0x1;
	s10 =	sshrl.u32 s10, $0x2  }
0xa: {  	s5 =	sadd.s32 s8, s5;
	s12 =	ssub.s32 s31, s7;
	s13 =	sadd.s32 s10, s2  }
0xb: {  	s29 =	sadd.s32 s9, s6;
	s30 =	sshrl.u32 s5, $0x3;
	s5 =	sadd.s32 $0x34A00, s6  }
0xc: {  	s10 =	smax.u32 s12, $0x1;
	s12 =	simm.s32 $0x2;
	s9 =	sadd.s32 s30, s6  }
0xd: {  	s6 =	sor.u32 $0x1C02, s11;
	s7 =	sadd.s32 $0x7A00, s29;
	s8 =	sadd.s32 $0x2A00, s29  }
0xe: {  	s11 =	sshrl.u32 s13, $0x3;
	s13 =	simm.s32 $0x14000;
	s9 =	sadd.s32 $0x37200, s9  }
.LBB2_1:
0xf: {  	[spmem:s11], [sflag:s6] =	dma.local [hbm:s5], $0x2800  }
0x10: {  	_ =	swait.ge [sflag:s12], $0x2800  }
0x11: {  	[sflag:s12] =	ssyncset.done $0x0  }
0x12: {  	[sflag:s12] =	ssyncadd.s32 $0xFFFFD800  }
0x13: {  	[tilespmem:s13], [sflag:$0x2] =	stream.linear.gather [hbm4b:s7+s3], $0x1400, $0x38;
	[tilespmem:$0x1A800] =	vst v63  }
0x14: {  	_ =	swait.ge [sflag:s12], $0x1400  }
0x15: {  	[sflag:s12] =	ssyncset.done $0x0  }
0x16: {  	[sflag:s12] =	ssyncadd.s32 $0xFFFFEC00  }
0x17: {  	[tilespmem:s14], [sflag:$0x2] =	stream.linear.gather [hbm4b:s8+s3], $0x1400, $0x38;
	[tilespmem:$0x1A800] =	vst v63  }
0x18: {  	_ =	swait.ge [sflag:s12], $0x1400  }
0x19: {  	[sflag:s12] =	ssyncset.done $0x0  }
0x1a: {  	[sflag:s12] =	ssyncadd.s32 $0xFFFFEC00  }
0x1b: {  	s19 =	simm.s32 $0x14000;
	[bflag:$0x0] =	sbarrier.arrive $0xFFFF  }
0x1c: {  	[tilespmem:s16], [sflag:$0x1] =	stream.indirect.gather [hbm4b:s4+s15], $0x80, s19, s15, $0xb8;
	[tilespmem:$0x1A800] =	vst v63  }
0x1d: {  	_ =	swait.ge [sflag:s17], $0x4000  }
0x1e: {  	[sflag:s17] =	ssyncset.done $0x0  }
0x1f: {  	s31 =	simm.s32 $0x15400;
	[sflag:s17] =	ssyncadd.s32 $0xFFFFC000  }
0x20: {  	[spmem:s2] =	stream.indirect.scatter.add.f32 [tilespmem:s16], [sflag:$0x2], $0x80, s31, s15, $0xb8;
	[tilespmem:$0x1A800] =	vst v63  }
0x21: {  	_ =	swait.ge [sflag:s12], $0x4000  }
0x22: {  	s20 =	simm.s32 $0x400;
	s19 =	simm.s32 $0x80;
	[sflag:s12] =	ssyncset.done $0x0  }
.LBB2_2:
0x23: {  	s21 =	sadd.s32 $0x14000, s19  }
0x24: {  	[sflag:s12] =	ssyncadd.s32 $0xFFFFC000;
	s22 =	smov.u32 s20;
	s23 =	sadd.s32 $0x200, s20  }
0x25: {  	[tilespmem:s16], [sflag:$0x1] =	stream.indirect.gather [hbm4b:s4+s15], $0x80, s21, s15, $0xb8;
	[tilespmem:$0x1A800] =	vst v63  }
0x26: {  	p0 =	sne.s32 s20, $0x4E00;
	_ =	swait.ge [sflag:s17], $0x4000  }
.Ltmp0:
0x27: {  	[sflag:s17] =	ssyncset.done $0x0;
	(pc) =	sbr.rel @p0 .LBB2_2-.Ltmp0, $4  }
0x28: {  	s19 =	sadd.s32 $0x15400, s19;
	[sflag:s17] =	ssyncadd.s32 $0xFFFFC000  }
0x29: {  	[spmem:s2] =	stream.indirect.scatter.add.f32 [tilespmem:s16], [sflag:$0x2], $0x80, s19, s15, $0xb8;
	[tilespmem:$0x1A800] =	vst v63  }
0x2a: {  	_ =	swait.ge [sflag:s12], $0x4000  }
0x2b: {  	s20 =	smov.u32 s23;
	s19 =	sshra.s32 s22, $0x2;
	[sflag:s12] =	ssyncset.done $0x0  }
0x2c: {  	s20 =	sadd.s32 $0x14000, s19;
	[sflag:s12] =	ssyncadd.s32 $0xFFFFC000  }
0x2d: {  	[tilespmem:s16], [sflag:$0x1] =	stream.indirect.gather [hbm4b:s4+s15], $0x80, s20, s15, $0xb8;
	[tilespmem:$0x1A800] =	vst v63  }
0x2e: {  	_ =	swait.ge [sflag:s17], $0x4000  }
0x2f: {  	[sflag:s17] =	ssyncset.done $0x0  }
0x30: {  	s31 =	sadd.s32 $0x15400, s19;
	[sflag:s17] =	ssyncadd.s32 $0xFFFFC000  }
0x31: {  	[spmem:s2] =	stream.indirect.scatter.add.f32 [tilespmem:s16], [sflag:$0x2], $0x80, s31, s15, $0xb8;
	[tilespmem:$0x1A800] =	vst v63  }
0x32: {  	_ =	swait.ge [sflag:s12], $0x4000  }
0x33: {  	s18 =	sadd.s32 $0x1, s18;
	[sflag:s12] =	ssyncset.done $0x0  }
0x34: {  	p0 =	sne.s32 s18, s10;
	[sflag:s12] =	ssyncadd.s32 $0xFFFFC000  }
.Ltmp1:
0x35: {  	[bflag:$0x0] =	sbarrier.arrive $0xFFFF;
	(pc) =	sbr.rel @p0 .LBB2_1-.Ltmp1, $4  }
0x36: {  	[hbm:s9], [sflag:s6] =	dma.local [spmem:s11], $0x2800  }
0x37: {  	_ =	swait.ge [sflag:s12], $0x2800  }
0x38: {  	[sflag:s12] =	ssyncset.done $0x0  }
0x39: {  	[sflag:s12] =	ssyncadd.s32 $0xFFFFD800  }
0x3a: {  	_ =	sfence.sel $0x180000  }
0x3b: {  	[bflag:$0x0] =	sbarrier.arrive $0xFFFF  }
0x3c: {  	p0 =	sne.s32 s1, $0x0;
	_ =	strace $0x9000004D  }
0x3d: {  	s0 =	sadd.s32 @!p0 $0x100000, s0;
	[bflag:$0x2] =	sbarrier.arrive $0xFFFF  }
0x3e: {  	[sflag:s0] =	ssyncadd.tile.s32 @!p0 $0x1;
	_ =	shalt  }
.Lfunc_end2:
_tile_overlayer_lowered:
.L_overlay_start_2:
0x3f: {  	(tag) =	ssettag $0x2  }
0x40: {  	s0 =	rddreg [dreg:$0x0];
	s2 =	stileid.u32  }
0x41: {  	s1 =	rddreg [dreg:$0x1];
	p0 =	sne.s32 s2, $0x0  }
0x42: {  	s3 =	rddreg [dreg:$0x2];
	[bflag:$0x3] =	sbarrier.arrive $0xFFFF;
	s2 =	simm.s32 @!p0 $0x1C02  }
0x43: {  	[timem:s3], [sflag:s2] =	dma.local @!p0 [hbm:s0], s1  }
0x44: {  	s0 =	simm.s32 @!p0 $0x2  }
0x45: {  	_ =	swait.ge @!p0 [sflag:s0], s1  }
0x46: {  	s1 =	ssub.s32 @!p0 $0x0, s1;
	[sflag:s0] =	ssyncset.done @!p0 $0x0  }
0x47: {  	[sflag:s0] =	ssyncadd.s32 @!p0 s1  }
0x48: {  	[bflag:$0x3] =	sbarrier.arrive $0xFFFF  }
0x49: {  	_ =	shalt  }

// kernel: kernel.8.cloned.1.call-start
scs
__scs_entry_jumppad:
0x0: {  	(pc) =	sbr.rel $0x88, $3  }
0x1: {  	(tag) =	ssettag $0x0;
	lr =	simm.s32 $0x1  }
0x2: {  	[smem:$0x3F92] =	sst lr;
	_ =	strace $0xD0000000  }
0x3: {  	_ = 	snop  }
0x4: {  	_ = 	snop  }
0x5: {  	_ = 	snop  }
0x6: {  	_ = 	snop  }
0x7: {  	_ = 	snop  }
__scs_overlays_trampoline_lowered:
0x8: {  	[smem:$0x3FA1] =	sst s0  }
0x9: {  	[smem:$0x3FA2] =	sst s1  }
0xa: {  	[smem:$0x3FA3] =	sst s2  }
0xb: {  	[smem:$0x3FA4] =	sst s3  }
0xc: {  	[smem:$0x3FA5] =	sst s4  }
0xd: {  	[smem:$0x3FA6] =	sst s5  }
0xe: {  	[smem:$0x3FA7] =	sst s6  }
0xf: {  	[smem:$0x3FA8] =	sst s7  }
0x10: {  	[smem:$0x3FA9] =	sst s8  }
0x11: {  	[smem:$0x3FAA] =	sst s9;
	s0 =	simm.s32 @!p0 $0x0  }
0x12: {  	s1 =	sld [smem:$0x3F90];
	s0 =	simm.s32 @p0 $0x1  }
0x13: {  	[smem:$0x3FAB] =	sst s0;
	s0 =	simm.s32 @!p1 $0x0  }
0x14: {  	s2 =	sld [smem:$0x3F8F];
	s0 =	simm.s32 @p1 $0x1  }
0x15: {  	[smem:$0x3FAC] =	sst s0;
	s0 =	simm.s32 @!p2 $0x0  }
0x16: {  	s3 =	sld [smem:$0x3FDB];
	s0 =	simm.s32 @p2 $0x1  }
0x17: {  	s4 =	simm.s32 $0x1BF5;
	[smem:$0x3FAE] =	sst s0  }
0x18: {  	s0 =	sld [smem:$0x3F91];
	_ =	swait.ge [sflag:s4], $0x0  }
0x19: {  	s7 =	sld [smem:$0x3F92]  }
0x1a: {  	s8 =	sadd.s32 $0xFFFFE003, lr  }
0x1b: {  	s9 =	sadd.s32 $0xFFFFFEF7, lr;
	s5 =	simm.s32 $0xFFFFFFFF;
	p2 =	slt.u32 s8, $0xFFFFF086  }
0x1c: {  	p1 =	slt.u32 s9, $0xF7A;
	s5 =	simm.s32 @!p2 $0x0  }
0x1d: {  	s5 =	simm.s32 @p1 $0x1;
	p0 =	seq.s32 s7, s2  }
0x1e: {  	s7 =	smul.u32 @!p0 $0xF7A, s2;
	p2 =	seq.s32 @!p0 s5, $0x0  }
0x1f: {  	s9 =	smul.u32 $0xF7A, s1;
	s8 =	simm.s32 @!p0 $0x1BF5;
	p2 =	por !p2, p0  }
0x20: {  	[sflag:s8] =	ssyncset.s32 @!p0 $0xFFFFF086;
	s6 =	sadd.s32 @!p0 s3, s7;
	s7 =	simm.s32 @!p0 $0x108  }
0x21: {  	s3 =	sadd.s32 s3, s9;
	s6 =	sadd.s32 @!p0 $0x88, s6;
	s7 =	simm.s32 @p2 $0x1082  }
0x22: {  	[simem:s7], [sflag:s8] =	dma.local @!p0 [hbm:s6], $0xF7A  }
0x23: {  	s9 =	sor.u32 $0xD0000000, s2;
	s6 =	simm.s32 $0x108;
	_ =	swait.ge @!p0 [sflag:s8], $0x0  }
0x24: {  	s3 =	sadd.s32 $0x88, s3;
	s6 =	simm.s32 @!p1 $0x1082;
	[sflag:s4] =	ssyncset.s32 $0xFFFFF086  }
0x25: {  	[simem:s6], [sflag:s4] =	dma.local [hbm:s3], $0xF7A  }
0x26: {  	[smem:$0x3F92] =	sst s1;
	(tag) =	ssettag s2;
	_ =	strace s9  }
0x27: {  	s1 =	sld [smem:$0x3FA2]  }
0x28: {  	s2 =	sld [smem:$0x3FA3]  }
0x29: {  	s4 =	sld [smem:$0x3FA5]  }
0x2a: {  	p0 =	seq.s32 s5, $0x0;
	s5 =	sld [smem:$0x3FA6]  }
0x2b: {  	s6 =	sld [smem:$0x3FA7]  }
0x2c: {  	s7 =	sld [smem:$0x3FA8]  }
0x2d: {  	s3 =	simm.s32 $0x108;
	s8 =	sld [smem:$0x3FA9]  }
0x2e: {  	s3 =	simm.s32 @!p0 $0x1082;
	s9 =	sld [smem:$0x3FAA]  }
0x2f: {  	lr =	sadd.s32 s0, s3;
	s0 =	sld [smem:$0x3FA1]  }
0x30: {  	s3 =	sld [smem:$0x3FA4]  }
0x31: {  	[smem:$0x3FAD] =	sst s10  }
0x32: {  	s10 =	sld [smem:$0x3FAB];
	_ =	sdelay $0x3  }
0x33: {  	p0 =	seq.s32 s10, $0x1;
	s10 =	sld [smem:$0x3FAD];
	_ =	sdelay $0x3  }
0x34: {  	[smem:$0x3FAD] =	sst s10  }
0x35: {  	s10 =	sld [smem:$0x3FAC];
	_ =	sdelay $0x3  }
0x36: {  	p1 =	seq.s32 s10, $0x1;
	s10 =	sld [smem:$0x3FAD];
	_ =	sdelay $0x3  }
0x37: {  	[smem:$0x3FAD] =	sst s10  }
0x38: {  	s10 =	sld [smem:$0x3FAE]  }
0x39: {  	_ = 	snop;
	(pc) =	sbr.ind lr, $3  }
0x3a: {  	_ = 	snop  }
0x3b: {  	_ = 	snop  }
0x3c: {  	p2 =	seq.s32 s10, $0x1;
	s10 =	sld [smem:$0x3FAD]  }
0x3d: {  	_ =	shalt  }
0x3e: {  	_ =	shalt  }
0x3f: {  	_ =	shalt  }
0x40: {  	_ =	shalt  }
0x41: {  	_ =	shalt  }
0x42: {  	_ =	shalt  }
0x43: {  	_ =	shalt  }
0x44: {  	_ =	shalt  }
0x45: {  	_ =	shalt  }
0x46: {  	_ =	shalt  }
0x47: {  	_ =	shalt  }
0x48: {  	_ =	shalt  }
0x49: {  	_ =	shalt  }
0x4a: {  	_ =	shalt  }
0x4b: {  	_ =	shalt  }
0x4c: {  	_ =	shalt  }
0x4d: {  	_ =	shalt  }
0x4e: {  	_ =	shalt  }
0x4f: {  	_ =	shalt  }
0x50: {  	_ =	shalt  }
0x51: {  	_ =	shalt  }
0x52: {  	_ =	shalt  }
0x53: {  	_ =	shalt  }
0x54: {  	_ =	shalt  }
0x55: {  	_ =	shalt  }
0x56: {  	_ =	shalt  }
0x57: {  	_ =	shalt  }
0x58: {  	_ =	shalt  }
0x59: {  	_ =	shalt  }
0x5a: {  	_ =	shalt  }
0x5b: {  	_ =	shalt  }
0x5c: {  	_ =	shalt  }
0x5d: {  	_ =	shalt  }
0x5e: {  	_ =	shalt  }
0x5f: {  	_ =	shalt  }
0x60: {  	_ =	shalt  }
0x61: {  	_ =	shalt  }
0x62: {  	_ =	shalt  }
0x63: {  	_ =	shalt  }
0x64: {  	_ =	shalt  }
0x65: {  	_ =	shalt  }
0x66: {  	_ =	shalt  }
0x67: {  	_ =	shalt  }
0x68: {  	_ =	shalt  }
0x69: {  	_ =	shalt  }
0x6a: {  	_ =	shalt  }
0x6b: {  	_ =	shalt  }
0x6c: {  	_ =	shalt  }
0x6d: {  	_ =	shalt  }
0x6e: {  	_ =	shalt  }
0x6f: {  	_ =	shalt  }
0x70: {  	_ =	shalt  }
0x71: {  	_ =	shalt  }
0x72: {  	_ =	shalt  }
0x73: {  	_ =	shalt  }
0x74: {  	_ =	shalt  }
0x75: {  	_ =	shalt  }
0x76: {  	_ =	shalt  }
0x77: {  	_ =	shalt  }
0x78: {  	_ =	shalt  }
0x79: {  	_ =	shalt  }
0x7a: {  	_ =	shalt  }
0x7b: {  	_ =	shalt  }
0x7c: {  	_ =	shalt  }
0x7d: {  	_ =	shalt  }
0x7e: {  	_ =	shalt  }
0x7f: {  	_ =	shalt  }
0x80: {  	_ =	shalt  }
0x81: {  	_ =	shalt  }
0x82: {  	_ =	shalt  }
0x83: {  	_ =	shalt  }
0x84: {  	_ =	shalt  }
0x85: {  	_ =	shalt  }
0x86: {  	_ =	shalt  }
0x87: {  	_ =	shalt  }
.Lfunc_end0:
.L_simem_size_0:
called_computation_lowered:
.L_overlay_start_0:
0x88: {  	s2 =	sld [smem:$0x3FD9]  }
0x89: {  	s3 =	sld [smem:$0x3FFE];
	_ =	sdelay $0x1  }
0x8a: {  	s1 =	srdreg.scid  }
0x8b: {  	s0 =	sand.u32 $0x1, s1  }
0x8c: {  	s17 =	sshll.u32 s0, $0xA;
	s2 =	sadd.s32 s3, s2  }
0x8d: {  	s2 =	sadd.s32 s2, s17  }
0x8e: {  	[smem:$0x3FB9] =	sst s2  }
0x8f: {  	_ = 	snop  }
0x90: {  	s2 =	sld [smem:$0x3FD0];
	(tm) =	ssettm $0x1  }
0x91: {  	s18 =	sld [smem:$0x3FFB];
	_ =	sdelay $0x3  }
0x92: {  	_ =	strace s18  }
0x93: {  	s3 =	sld [smem:$0x3FFC];
	_ =	sdelay $0x3  }
0x94: {  	_ =	strace s3  }
0x95: {  	s3 =	sld [smem:$0x3FFD];
	_ =	sdelay $0x3  }
0x96: {  	_ =	strace s3  }
0x97: {  	_ =	strace $0x8FFFFFFF  }
0x98: {  	s19 =	sld [smem:$0x3FDB];
	_ =	sdelay $0x1  }
0x99: {  	s4 =	simm.s32 $_scs_section_size  }
0x9a: {  	s5 =	simm.s32 $_size__tile_overlayer_lowered;
	s6 =	simm.s32 $_tile_overlayer_lowered  }
0x9b: {  	s22 =	simm.s32 $0x1BFF;
	s21 =	sshll.u32 s6, $0x1;
	s3 =	sadd.s32 s4, s19  }
0x9c: {  	s7 =	simm.s32 $0x0;
	s20 =	sshll.u32 s5, $0x1;
	s5 =	sadd.s32 s21, s3  }
0x9d: {  	[timem:s7], [sflag:s22] =	dma.local [hbm:s5], s20  }
0x9e: {  	_ =	swait.ge [sflag:s22], s20  }
0x9f: {  	s4 =	ssub.s32 $0x0, s20;
	[sflag:s22] =	ssyncset.done $0x0  }
0xa0: {  	[sflag:s22] =	ssyncadd.s32 s4;
	_ =	sdelay $0x1  }
0xa1: {  	s23 =	simm.s32 $0x1B8B  }
0xa2: {  	_ =	swait.ge [sflag:s23], $0x1  }
0xa3: {  	[sflag:s23] =	ssyncset.done $0x0  }
0xa4: {  	s25 =	simm.s32 $0x1B8E;
	s24 =	sld [smem:$0x3FFE];
	[sflag:s23] =	ssyncadd.s32 $0xFFFFFFFF  }
0xa5: {  	s26 =	simm.s32 $execute0_lowered;
	[smem:$0x3FD2] =	sst s25  }
0xa6: {  	s5 =	sshll.u32 s26, $0x1;
	_ =	strace $0x80000046;
	[dreg:$0x1] =	wrdreg $0xFFFFFFFF  }
0xa7: {  	s28 =	simm.s32 $_size_execute0_lowered;
	s3 =	sadd.s32 s3, s5;
	[dreg:$0x0] =	wrdreg $0x0  }
0xa8: {  	s5 =	sshll.u32 s28, $0x1;
	[dreg:$0x2] =	wrdreg s3  }
0xa9: {  	[dreg:$0x3] =	wrdreg s5  }
0xaa: {  	[dreg:$0x4] =	wrdreg $0xC0  }
0xab: {  	_ =	task [dreg:s7], $0x5FFFF  }
0xac: {  	[dreg:$0x1] =	wrdreg $0xFFFFFFFF  }
0xad: {  	[dreg:$0x0] =	wrdreg $0x60  }
0xae: {  	[dreg:$0x2] =	wrdreg s24  }
0xaf: {  	[dreg:$0x3] =	wrdreg s2  }
0xb0: {  	[dreg:$0x4] =	wrdreg $0x0  }
0xb1: {  	[dreg:$0x5] =	wrdreg $0x9  }
0xb2: {  	_ =	task.clear_ibuf [dreg:s7], $0x6FFFF;
	_ =	strace $0x90000046  }
0xb3: {  	s29 =	simm.s32 $0x9;
	_ =	strace $0x80000048  }
0xb4: {  	_ =	swait.ge [sflag:s29], $0x1  }
0xb5: {  	[sflag:s29] =	ssyncadd.s32 $0xFFFFFFFF  }
0xb6: {  	_ =	strace $0x90000048  }
0xb7: {  	_ =	sfence  }
0xb8: {  	s30 =	sld [smem:$0x0];
	_ =	sdelay $0x2  }
0xb9: {  	s31 =	sshll.u32 s1, $0xD;
	s1 =	sshrl.u32 s1, $0x2  }
0xba: {  	s3 =	sand.u32 $0x4000, s31;
	s1 =	sadd.s32 s1, s30  }
0xbb: {  	s0 =	sor.u32 s3, s0;
	s1 =	sshll.u32 s1, $0x11  }
0xbc: {  	s0 =	sor.u32 s1, s0  }
0xbd: {  	s0 =	sadd.s32 $0x8F2B, s0  }
0xbe: {  	[sflag:s0] =	ssyncadd.remote.s32 $0x1  }
0xbf: {  	_ =	sfence.sel $0xFFFF  }
0xc0: {  	[dreg:$0x0] =	wrdreg $0xFFFFFFFF;
	(pc) =	sbr.abs _section_cstart, $3  }
0xc1: {  	[dreg:$0x1] =	wrdreg $0xFFFFFFFF  }
0xc2: {  	_ =	task.clear_ibuf [dreg:s7], $0x2FFFF;
	_ =	strace $0x9FFFFFFF  }
0xc3: {  	(tm) =	ssettm $0x7FFFFFFF  }
tec
execute0_lowered:
.L_overlay_start_1:
0x0: {  	(tag) =	ssettag $0x1  }
0x1: {  	s6 =	rddreg [dreg:$0x0]  }
0x2: {  	s1 =	srdreg.scid;
	s2 =	rddreg [dreg:$0x1]  }
0x3: {  	s0 =	stileid.u32;
	s3 =	rddreg [dreg:$0x2];
	s4 =	simm.s32 $0x0  }
0x4: {  	s13 =	simm.s32 $0x1680;
	s14 =	simm.s32 $0x80;
	s15 =	simm.s32 $0x20  }
0x5: {  	s16 =	simm.s32 $0x10;
	s17 =	simm.s32 $0x0;
	s7 =	sand.u32 $0x1, s1  }
0x6: {  	s28 =	sshll.u32 s0, $0x1;
	s1 =	rddreg [dreg:$0x3];
	s8 =	smul.u32 $0x500, s0  }
0x7: {  	[smem:$0x7FF] =	sst s4;
	s29 =	smul.u32 $0xA00, s0;
	s31 =	sshll.u32 s0, $0x6  }
0x8: {  	s5 =	sor.u32 s7, s28;
	_ =	strace $0x80000047;
	s9 =	sshll.u32 s7, $0x7  }
0x9: {  	s7 =	ssub.s32 $0x2, s7;
	s5 =	smul.u32 $0x280, s5;
	s8 =	sor.u32 s9, s8  }
0xa: {  	s30 =	sshrl.u32 s7, $0x1;
	s9 =	sshrl.u32 s29, $0x2;
	s8 =	sshrl.u32 s8, $0x3  }
0xb: {  	s11 =	ssub.s32 s7, s30;
	s12 =	sadd.s32 s9, s3;
	s10 =	sadd.s32 s5, s6  }
0xc: {  	s5 =	sadd.s32 $0xCA00, s6;
	s8 =	sadd.s32 s8, s6;
	s6 =	sor.u32 $0x1C01, s31  }
0xd: {  	s9 =	smax.u32 s11, $0x1;
	s11 =	simm.s32 $0x1;
	s7 =	sadd.s32 $0x2A00, s10  }
0xe: {  	s8 =	sadd.s32 $0xCC00, s8;
	s10 =	sshrl.u32 s12, $0x3;
	s12 =	simm.s32 $0x280  }
.LBB2_1:
0xf: {  	[spmem:s10], [sflag:s6] =	dma.local [hbm:s5], $0x50  }
0x10: {  	_ =	swait.ge [sflag:s11], $0x50  }
0x11: {  	[sflag:s11] =	ssyncset.done $0x0  }
0x12: {  	[sflag:s11] =	ssyncadd.s32 $0xFFFFFFB0  }
0x13: {  	[tilespmem:s12], [sflag:$0x1] =	stream.linear.gather [hbm4b:s7+s4], $0x1400, $0x38;
	[tilespmem:$0x1700] =	vst v63  }
0x14: {  	_ =	swait.ge [sflag:s11], $0x1400  }
0x15: {  	[sflag:s11] =	ssyncset.done $0x0  }
0x16: {  	[sflag:s11] =	ssyncadd.s32 $0xFFFFEC00  }
0x17: {  	[tilespmem:s13], [sflag:$0x1] =	stream.linear.gather [hbm4b:s2+s4], $0x80, $0x38;
	[tilespmem:$0x1700] =	vst v63  }
0x18: {  	_ =	swait.ge [sflag:s11], $0x80  }
0x19: {  	[sflag:s11] =	ssyncset.done $0x0  }
0x1a: {  	[sflag:s11] =	ssyncadd.s32 $0xFFFFFF80  }
0x1b: {  	s18 =	simm.s32 $0x280;
	[bflag:$0x0] =	sbarrier.arrive $0xFFFF  }
0x1c: {  	[spmem:s3] =	stream.indirect.scatter.add.f32 [tilespmem:s13], [sflag:$0x1], $0x1, s18, s14, $0xb8;
	[tilespmem:$0x1700] =	vst v63  }
0x1d: {  	s18 =	simm.s32 $0x200;
	_ =	swait.ge [sflag:s11], $0x80  }
.LBB2_2:
0x1e: {  	s19 =	sshra.s32 s18, $0x2;
	[sflag:s11] =	ssyncset.done $0x0;
	p0 =	sne.s32 s18, $0x4E00  }
.Ltmp0:
0x1f: {  	s19 =	sadd.s32 $0x280, s19;
	[sflag:s11] =	ssyncadd.s32 $0xFFFFFF80;
	(pc) =	sbr.rel @p0 .LBB2_2-.Ltmp0, $3  }
0x20: {  	[spmem:s3] =	stream.indirect.scatter.add.f32 [tilespmem:s13], [sflag:$0x1], $0x1, s19, s14, $0xb8;
	[tilespmem:$0x1700] =	vst v63  }
0x21: {  	s18 =	sadd.s32 $0x200, s18;
	_ =	sdelay $0x1  }
0x22: {  	_ =	swait.ge [sflag:s11], $0x80  }
0x23: {  	[sflag:s11] =	ssyncset.done $0x0;
	s17 =	sadd.s32 $0x1, s17  }
0x24: {  	[sflag:s11] =	ssyncadd.s32 $0xFFFFFF80;
	p0 =	sne.s32 s17, s9  }
.Ltmp1:
0x25: {  	[bflag:$0x0] =	sbarrier.arrive $0xFFFF;
	(pc) =	sbr.rel @p0 .LBB2_1-.Ltmp1, $4  }
0x26: {  	[hbm:s8@s15], [sflag:s6] =	dma.strided [spmem:s10@s16], $0x50, s11, $0x10   }
0x27: {  	_ =	swait.ge [sflag:s11], $0x50  }
0x28: {  	[sflag:s11] =	ssyncset.done $0x0  }
0x29: {  	[sflag:s11] =	ssyncadd.s32 $0xFFFFFFB0  }
0x2a: {  	_ =	sfence.sel $0x180000  }
0x2b: {  	[bflag:$0x0] =	sbarrier.arrive $0xFFFF  }
0x2c: {  	p0 =	sne.s32 s0, $0x0;
	_ =	strace $0x90000047  }
0x2d: {  	s0 =	sadd.s32 @!p0 $0x100000, s1;
	[bflag:$0x2] =	sbarrier.arrive $0xFFFF  }
0x2e: {  	[sflag:s0] =	ssyncadd.tile.s32 @!p0 $0x1;
	_ =	shalt  }
.Lfunc_end2:
_tile_overlayer_lowered:
.L_overlay_start_2:
0x2f: {  	(tag) =	ssettag $0x2  }
0x30: {  	s0 =	rddreg [dreg:$0x0];
	s2 =	stileid.u32  }
0x31: {  	s1 =	rddreg [dreg:$0x1];
	p0 =	sne.s32 s2, $0x0  }
0x32: {  	s3 =	rddreg [dreg:$0x2];
	[bflag:$0x3] =	sbarrier.arrive $0xFFFF;
	s2 =	simm.s32 @!p0 $0x1C01  }
0x33: {  	[timem:s3], [sflag:s2] =	dma.local @!p0 [hbm:s0], s1  }
0x34: {  	s0 =	simm.s32 @!p0 $0x1  }
0x35: {  	_ =	swait.ge @!p0 [sflag:s0], s1  }
0x36: {  	s1 =	ssub.s32 @!p0 $0x0, s1;
	[sflag:s0] =	ssyncset.done @!p0 $0x0  }
0x37: {  	[sflag:s0] =	ssyncadd.s32 @!p0 s1  }
0x38: {  	[bflag:$0x3] =	sbarrier.arrive $0xFFFF  }
0x39: {  	_ =	shalt  }

</sc_bundles>
